<compile_context>
chip_gen: v7x
topology: tpu7x:2x2x1
jax: 0.10.2.dev20260603
libtpu: 0.0.44.dev20260713+nightly
codegen_flags: <defaults>
</compile_context>

<pallas_src>
import functools

import jax
import jax.numpy as jnp
from jax import lax
from jax.experimental import pallas as pl
from jax.experimental.pallas import tpu as pltpu
from jax.experimental.pallas import tpu_sc as plsc

N = 10000
E = 160000
D = 128
A = 4
H = 64

NC = 2
NS = 16
NW = NC * NS
CH = 128
NCHUNKP = 1280
RPT = N // NS

F32 = jnp.float32


def _dot(a, b):
    return jnp.dot(a, b, preferred_element_type=F32)


def _sig(x):
    return 1.0 / (1.0 + jnp.exp(-x))



EP = 163840
CPW = EP // NW // CH
PF = 4
EPW = EP // NW


def _gather_body(nodes_hbm, s_hbm, r_hbm, gs_hbm, gr_hbm,
                 sidx_v, ridx_v,
                 sr0, sr1, sr2, sr3, rr0, rr1, rr2, rr3,
                 sg0, sg1, sg2, sg3, sw0, sw1, sw2, sw3):
    c = lax.axis_index("c")
    s = lax.axis_index("s")
    wid = s * NC + c
    wbase = wid * EPW
    srows = [sr0, sr1, sr2, sr3]
    rrows = [rr0, rr1, rr2, rr3]
    sg = [sg0, sg1, sg2, sg3]
    sw = [sw0, sw1, sw2, sw3]

    pltpu.sync_copy(s_hbm.at[pl.ds(wbase, EPW)], sidx_v)
    pltpu.sync_copy(r_hbm.at[pl.ds(wbase, EPW)], ridx_v)

    def fire_g(kk, b):
        pltpu.async_copy(nodes_hbm.at[sidx_v.at[pl.ds(kk * CH, CH)]],
                         srows[b], sg[b])
        pltpu.async_copy(nodes_hbm.at[ridx_v.at[pl.ds(kk * CH, CH)]],
                         rrows[b], sg[b])

    def wait_g(b):
        pltpu.make_async_copy(nodes_hbm.at[sidx_v.at[pl.ds(0, CH)]],
                              srows[b], sg[b]).wait()
        pltpu.make_async_copy(nodes_hbm.at[ridx_v.at[pl.ds(0, CH)]],
                              rrows[b], sg[b]).wait()

    def fire_w(kk, b):
        off = wbase + kk * CH
        pltpu.async_copy(srows[b], gs_hbm.at[pl.ds(off, CH)], sw[b])
        pltpu.async_copy(rrows[b], gr_hbm.at[pl.ds(off, CH)], sw[b])

    def wait_w(b):
        pltpu.make_async_copy(srows[b], gs_hbm.at[pl.ds(0, CH)], sw[b]).wait()
        pltpu.make_async_copy(rrows[b], gr_hbm.at[pl.ds(0, CH)], sw[b]).wait()

    for b in range(PF):
        fire_g(b, b)

    def body(j, carry):
        for b in range(PF):
            kk = j * PF + b
            wait_g(b)
            fire_w(kk, b)
            wait_w(b)
            fire_g(kk + PF, b)
        return carry

    lax.fori_loop(0, CPW // PF - 1, body, 0)
    for b in range(PF):
        wait_g(b)
        fire_w(CPW - PF + b, b)
    for b in range(PF):
        wait_w(b)


@jax.jit
def _gather(nodes, s2, r2):
    return pl.kernel(
        _gather_body,
        mesh=plsc.VectorSubcoreMesh(core_axis_name="c", subcore_axis_name="s"),
        compiler_params=pltpu.CompilerParams(use_tc_tiling_on_sc=False),
        out_type=[
            jax.ShapeDtypeStruct((EP, H), F32),
            jax.ShapeDtypeStruct((EP, H), F32),
        ],
        scratch_types=(
            [pltpu.VMEM((EPW,), jnp.int32)] * 2
            + [pltpu.VMEM((CH, H), F32)] * 8
            + [pltpu.SemaphoreType.DMA] * 8
        ),
    )(nodes, s2, r2)



NPAD = N + 16


def _scatter_body(msg_hbm, r_hbm, zeros_hbm, out_hbm,
                  idx_v, r0, r1, r2, r3, agg_sh,
                  sl0, sl1, sl2, sl3, sc0, sc1, sc2, sc3):
    c = lax.axis_index("c")
    s = lax.axis_index("s")
    wid = s * NC + c
    wbase = wid * EPW
    rows = [r0, r1, r2, r3]
    sl = [sl0, sl1, sl2, sl3]
    sc = [sc0, sc1, sc2, sc3]

    pltpu.sync_copy(zeros_hbm.at[pl.ds(s * RPT, RPT)],
                    agg_sh.at[pl.ds(s * RPT, RPT)])
    for k in range(CPW):
        pltpu.async_copy(r_hbm.at[pl.ds(wbase + k * CH, CH)], idx_v.at[k],
                         sl0)
    for k in range(CPW):
        pltpu.make_async_copy(r_hbm.at[pl.ds(0, CH)], idx_v.at[0], sl0).wait()
    plsc.subcore_barrier()

    def fire_l(kk, b):
        pltpu.async_copy(msg_hbm.at[pl.ds(wbase + kk * CH, CH)], rows[b], sl[b])

    def wait_l(b):
        pltpu.make_async_copy(msg_hbm.at[pl.ds(0, CH)], rows[b], sl[b]).wait()

    def fire_s(kk, b):
        pltpu.async_copy(rows[b], agg_sh.at[idx_v.at[kk]], sc[b], add=True)

    def wait_s(b):
        pltpu.make_async_copy(rows[b], agg_sh.at[idx_v.at[0]], sc[b]).wait()

    for b in range(PF):
        fire_l(b, b)

    def body(j, carry):
        for b in range(PF):
            kk = j * PF + b
            wait_l(b)
            fire_s(kk, b)
            wait_s(b)
            fire_l(kk + PF, b)
        return carry

    lax.fori_loop(0, CPW // PF - 1, body, 0)
    for b in range(PF):
        wait_l(b)
        fire_s(CPW - PF + b, b)
    for b in range(PF):
        wait_s(b)

    plsc.subcore_barrier()
    pltpu.sync_copy(agg_sh.at[pl.ds(s * RPT, RPT)],
                    out_hbm.at[c].at[pl.ds(s * RPT, RPT)])


@jax.jit
def _scatter(msg, r2, zeros):
    return pl.kernel(
        _scatter_body,
        mesh=plsc.VectorSubcoreMesh(core_axis_name="c", subcore_axis_name="s"),
        compiler_params=pltpu.CompilerParams(use_tc_tiling_on_sc=False),
        out_type=jax.ShapeDtypeStruct((NC, N, H), F32),
        scratch_types=(
            [pltpu.VMEM((CPW, CH), jnp.int32)]
            + [pltpu.VMEM((CH, H), F32)] * 4
            + [pltpu.VMEM_SHARED((NPAD, H), F32)]
            + [pltpu.SemaphoreType.DMA] * 8
        ),
    )(msg, r2, zeros)



def _embed_k(x_ref, na_ref, we_ref, ve_ref, out_ref):
    out_ref[...] = _dot(x_ref[...], we_ref[...]) * _dot(na_ref[...], ve_ref[...])


def _embed(x, na, We, Ve):
    return pl.pallas_call(
        _embed_k,
        out_shape=jax.ShapeDtypeStruct((N, H), F32),
    )(x, na, We, Ve)


BM = 5120


def _msg_k(gs_ref, gr_ref, ea_ref, w0a_ref, w0b_ref, v0_ref, w1_ref, v1_ref,
           out_ref):
    h = _dot(gs_ref[...], w0a_ref[...]) + _dot(gr_ref[...], w0b_ref[...])
    h = h * _dot(ea_ref[...], v0_ref[...])
    m = h[:, :H] * _sig(h[:, H:])
    h2 = _dot(m, w1_ref[...]) * _dot(ea_ref[...], v1_ref[...])
    out_ref[...] = h2[:, :H] * _sig(h2[:, H:])


def _messages(gs, gr, ea, W0a, W0b, V0, W1, V1):
    grid = EP // BM
    blk = lambda r, c: pl.BlockSpec((r, c), lambda i: (i, 0))
    wblk = lambda r, c: pl.BlockSpec((r, c), lambda i: (0, 0))
    return pl.pallas_call(
        _msg_k,
        grid=(grid,),
        in_specs=[
            blk(BM, H), blk(BM, H), blk(BM, A),
            wblk(H, 2 * H), wblk(H, 2 * H), wblk(A, 2 * H),
            wblk(H, 2 * H), wblk(A, 2 * H),
        ],
        out_specs=blk(BM, H),
        out_shape=jax.ShapeDtypeStruct((EP, H), F32),
    )(gs, gr, ea, W0a, W0b, V0, W1, V1)


def _update_k(nodes_ref, agg_ref, na_ref, wa_ref, wb_ref, v0_ref, w1_ref,
              v1_ref, out_ref):
    agg = agg_ref[0] + agg_ref[1]
    h = _dot(nodes_ref[...], wa_ref[...]) + _dot(agg, wb_ref[...])
    h = h * _dot(na_ref[...], v0_ref[...])
    u = h[:, :H] * _sig(h[:, H:])
    upd = _dot(u, w1_ref[...]) * _dot(na_ref[...], v1_ref[...])
    out_ref[...] = nodes_ref[...] + upd


def _update(nodes, agg2, na, Wa, Wb, V0, W1, V1):
    return pl.pallas_call(
        _update_k,
        out_shape=jax.ShapeDtypeStruct((N, H), F32),
    )(nodes, agg2, na, Wa, Wb, V0, W1, V1)


def _dec_k(nodes_ref, na_ref, wp_ref, vp_ref, wpp_ref, vpp_ref, wq_ref,
           wo_ref, out_ref):
    h = _dot(nodes_ref[...], wp_ref[...]) * _dot(na_ref[...], vp_ref[...])
    nd = h[:, :H] * _sig(h[:, H:])
    nd = _dot(nd, wpp_ref[...]) * _dot(na_ref[...], vpp_ref[...])
    g = jnp.sum(nd, axis=0, keepdims=True) * (1.0 / N)
    h2 = _dot(g, wq_ref[...])
    f = h2[:, :H] * _sig(h2[:, H:])
    out_ref[...] = _dot(f, wo_ref[...])


def _decode(nodes, na, Wp, Vp, Wpp, Vpp, Wq, Wo):
    return pl.pallas_call(
        _dec_k,
        out_shape=jax.ShapeDtypeStruct((1, 1), F32),
    )(nodes, na, Wp, Vp, Wpp, Vpp, Wq, Wo)



def kernel(x, node_attr, edge_attr, We, Ve, Wm0, Vm0, Wm1, Vm1, Wu0, Vu0,
           Wu1, Vu1, Wp, Vp, Wpp, Vpp, Wq, Wo, edge_index):
    npad = EP - E
    senders = jnp.concatenate([edge_index[0], jnp.zeros((npad,), jnp.int32)])
    receivers_g = jnp.concatenate(
        [edge_index[1], jnp.zeros((npad,), jnp.int32)])
    receivers_s = jnp.concatenate(
        [edge_index[1], jnp.full((npad,), N, jnp.int32)])
    zeros = jnp.zeros((N, H), F32)

    nodes = _embed(x, node_attr, We, Ve)
    num_layers = Wm0.shape[0]
    for l in range(num_layers):
        gs, gr = _gather(nodes, senders, receivers_g)
        msg = _messages(gs, gr, edge_attr,
                        Wm0[l, :H], Wm0[l, H:], Vm0[l], Wm1[l], Vm1[l])
        agg2 = _scatter(msg, receivers_s, zeros)
        nodes = _update(nodes, agg2, node_attr,
                        Wu0[l, :H], Wu0[l, H:], Vu0[l], Wu1[l], Vu1[l])
    return _decode(nodes, node_attr, Wp, Vp, Wpp, Vpp, Wq, Wo)

# --- scband reference (transcript-rebuilt; emitter-appended) ---
"""Pipeline reference for scband-segnn-20229295964665 (READ-ONLY COPY).

The authoritative reference and input builder live on the scoring server;
editing this copy changes nothing except your own understanding.
"""

import jax, jax.numpy as jnp
import numpy as np

N = 10000
E = 160000
D = 128
A = 4
H = 64
L = 4


def _w(k, shape):
    return jax.random.normal(k, shape, dtype=jnp.float32) / np.sqrt(shape[-2])


def setup_inputs(seed: int = 0):
    key = jax.random.key(seed)
    ks = jax.random.split(key, 20)
    return {
        "x": jax.random.normal(ks[0], (N, D), dtype=jnp.float32),
        "node_attr": jax.random.normal(ks[1], (N, A), dtype=jnp.float32),
        "edge_attr": jax.random.normal(ks[2], (E, A), dtype=jnp.float32),
        "We": _w(ks[3], (D, H)), "Ve": _w(ks[4], (A, H)),
        "Wm0": _w(ks[5], (L, 2 * H, 2 * H)), "Vm0": _w(ks[6], (L, A, 2 * H)),
        "Wm1": _w(ks[7], (L, H, 2 * H)), "Vm1": _w(ks[8], (L, A, 2 * H)),
        "Wu0": _w(ks[9], (L, 2 * H, 2 * H)), "Vu0": _w(ks[10], (L, A, 2 * H)),
        "Wu1": _w(ks[11], (L, H, H)), "Vu1": _w(ks[12], (L, A, H)),
        "Wp": _w(ks[13], (H, 2 * H)), "Vp": _w(ks[14], (A, 2 * H)),
        "Wpp": _w(ks[15], (H, H)), "Vpp": _w(ks[16], (A, H)),
        "Wq": _w(ks[17], (H, 2 * H)),
        "Wo": _w(ks[18], (H, 1)),
        "edge_index": jax.random.randint(ks[19], (2, E), 0, N, dtype=jnp.int32),
    }


def _tp(x, attr, W, V):
    # Factored steerable tensor product: bilinear in (features, attributes)
    return (x @ W) * (attr @ V)


def _tp_gate(x, attr, W, V):
    # O3TensorProductGate: TP producing feats + gate scalars, gated nonlinearity
    h = (x @ W) * (attr @ V)
    f, g = jnp.split(h, 2, axis=-1)
    return f * jax.nn.sigmoid(g)


def reference(x, node_attr, edge_attr, We, Ve, Wm0, Vm0, Wm1, Vm1, Wu0, Vu0, Wu1, Vu1, Wp, Vp, Wpp, Vpp, Wq, Wo, edge_index):
    senders = edge_index[0]
    receivers = edge_index[1]
    # O3Embedding
    nodes = _tp(x, node_attr, We, Ve)
    n = nodes.shape[0]
    # SEGNN message passing layers
    for l in range(Wm0.shape[0]):
        # message: concat(incoming, outgoing) -> 2 gated TP blocks conditioned on edge attrs
        msg = jnp.concatenate([nodes[senders], nodes[receivers]], axis=-1)
        msg = _tp_gate(msg, edge_attr, Wm0[l], Vm0[l])
        msg = _tp_gate(msg, edge_attr, Wm1[l], Vm1[l])
        # aggregate (jraph.segment_sum)
        agg = jax.ops.segment_sum(msg, receivers, num_segments=n)
        # update: concat(nodes, msg) -> gated TP block + final TP, residual
        u = jnp.concatenate([nodes, agg], axis=-1)
        u = _tp_gate(u, node_attr, Wu0[l], Vu0[l])
        upd = _tp(u, node_attr, Wu1[l], Vu1[l])
        nodes = nodes + upd
    # O3Decoder, task='graph', pool='avg'
    nd = _tp_gate(nodes, node_attr, Wp, Vp)
    nd = _tp(nd, node_attr, Wpp, Vpp)
    g = jnp.mean(nd, axis=0, keepdims=True)
    h2 = g @ Wq
    f, gt = jnp.split(h2, 2, axis=-1)
    g2 = f * jax.nn.sigmoid(gt)
    return g2 @ Wo

if __name__ == "__main__":
    import jax
    _d = setup_inputs()
    print(jax.jit(kernel)(*tuple(_d.values())))

</pallas_src>

<mosaic_0001>
#map = affine_map<(d0, d1) -> (0, 0)>
#map1 = affine_map<(d0, d1) -> (0)>
module attributes {stable_mosaic.version = 14 : i64} {
  func.func @_gather_body(%arg0: i32, %arg1: i32, %arg2: memref<10000x64xf32, #tpu.memory_space<hbm>>, %arg3: memref<163840xi32, #tpu.memory_space<hbm>>, %arg4: memref<163840xi32, #tpu.memory_space<hbm>>, %arg5: memref<163840x64xf32, #tpu.memory_space<hbm>>, %arg6: memref<163840x64xf32, #tpu.memory_space<hbm>>, %arg7: memref<5120xi32, #tpu.memory_space<vmem>>, %arg8: memref<5120xi32, #tpu.memory_space<vmem>>, %arg9: memref<128x64xf32, #tpu.memory_space<vmem>>, %arg10: memref<128x64xf32, #tpu.memory_space<vmem>>, %arg11: memref<128x64xf32, #tpu.memory_space<vmem>>, %arg12: memref<128x64xf32, #tpu.memory_space<vmem>>, %arg13: memref<128x64xf32, #tpu.memory_space<vmem>>, %arg14: memref<128x64xf32, #tpu.memory_space<vmem>>, %arg15: memref<128x64xf32, #tpu.memory_space<vmem>>, %arg16: memref<128x64xf32, #tpu.memory_space<vmem>>, %arg17: memref<!tpu.dma_semaphore, #tpu.memory_space<semaphore_mem>>, %arg18: memref<!tpu.dma_semaphore, #tpu.memory_space<semaphore_mem>>, %arg19: memref<!tpu.dma_semaphore, #tpu.memory_space<semaphore_mem>>, %arg20: memref<!tpu.dma_semaphore, #tpu.memory_space<semaphore_mem>>, %arg21: memref<!tpu.dma_semaphore, #tpu.memory_space<semaphore_mem>>, %arg22: memref<!tpu.dma_semaphore, #tpu.memory_space<semaphore_mem>>, %arg23: memref<!tpu.dma_semaphore, #tpu.memory_space<semaphore_mem>>, %arg24: memref<!tpu.dma_semaphore, #tpu.memory_space<semaphore_mem>>) attributes {dimension_semantics = [#tpu.dimension_semantics<core_parallel>, #tpu.dimension_semantics<subcore_parallel>], iteration_bounds = array<i64: 2, 16>, scalar_prefetch = 0 : i64, scratch_operands = 18 : i64, tpu.core_type = #tpu.core_type<sc_vector_subcore>, window_params = [{transform_indices = #map}, {transform_indices = #map1}, {transform_indices = #map1}, {transform_indices = #map}, {transform_indices = #map}]} {
    %mul3A = arith.constant 2 : i32
    %mul3A_0 = arith.muli %arg1, %mul3A : i32
    %add3A = arith.addi %mul3A_0, %arg0 : i32
    %mul3A_1 = arith.constant 5120 : i32
    %mul3A_2 = arith.muli %add3A, %mul3A_1 : i32
    "tpu.region"() ({
      %run_scoped3A = tpu.sem_alloc : memref<!tpu.dma_semaphore, #tpu.memory_space<semaphore_mem>>
      %dma_start3A_174 = tpu.memref_slice %arg3[%mul3A_2] : memref<163840xi32, #tpu.memory_space<hbm>> -> memref<5120xi32, #tpu.memory_space<hbm>>
      %dma_start3A_175 = tpu.memref_slice %arg3[%mul3A_2] : memref<163840xi32, #tpu.memory_space<hbm>> -> memref<5120xi32, #tpu.memory_space<hbm>>
      tpu.enqueue_dma source(%dma_start3A_175 : memref<5120xi32, #tpu.memory_space<hbm>>) target(%arg7 : memref<5120xi32, #tpu.memory_space<vmem>>) target_semaphore(%run_scoped3A : memref<!tpu.dma_semaphore, #tpu.memory_space<semaphore_mem>>)
      %dma_wait3A_176 = tpu.memref_slice %arg3[%mul3A_2] : memref<163840xi32, #tpu.memory_space<hbm>> -> memref<5120xi32, #tpu.memory_space<hbm>>
      %dma_wait3A_177 = tpu.memref_slice %arg3[%mul3A_2] : memref<163840xi32, #tpu.memory_space<hbm>> -> memref<5120xi32, #tpu.memory_space<hbm>>
      tpu.wait_dma2 semaphore(%run_scoped3A : memref<!tpu.dma_semaphore, #tpu.memory_space<semaphore_mem>>) src(%dma_wait3A_177 : memref<5120xi32, #tpu.memory_space<hbm>>) dst(%arg7 : memref<5120xi32, #tpu.memory_space<vmem>>)
      tpu.yield
    }) : () -> ()
    "tpu.region"() ({
      %run_scoped3A = tpu.sem_alloc : memref<!tpu.dma_semaphore, #tpu.memory_space<semaphore_mem>>
      %dma_start3A_174 = tpu.memref_slice %arg4[%mul3A_2] : memref<163840xi32, #tpu.memory_space<hbm>> -> memref<5120xi32, #tpu.memory_space<hbm>>
      %dma_start3A_175 = tpu.memref_slice %arg4[%mul3A_2] : memref<163840xi32, #tpu.memory_space<hbm>> -> memref<5120xi32, #tpu.memory_space<hbm>>
      tpu.enqueue_dma source(%dma_start3A_175 : memref<5120xi32, #tpu.memory_space<hbm>>) target(%arg8 : memref<5120xi32, #tpu.memory_space<vmem>>) target_semaphore(%run_scoped3A : memref<!tpu.dma_semaphore, #tpu.memory_space<semaphore_mem>>)
      %dma_wait3A_176 = tpu.memref_slice %arg4[%mul3A_2] : memref<163840xi32, #tpu.memory_space<hbm>> -> memref<5120xi32, #tpu.memory_space<hbm>>
      %dma_wait3A_177 = tpu.memref_slice %arg4[%mul3A_2] : memref<163840xi32, #tpu.memory_space<hbm>> -> memref<5120xi32, #tpu.memory_space<hbm>>
      tpu.wait_dma2 semaphore(%run_scoped3A : memref<!tpu.dma_semaphore, #tpu.memory_space<semaphore_mem>>) src(%dma_wait3A_177 : memref<5120xi32, #tpu.memory_space<hbm>>) dst(%arg8 : memref<5120xi32, #tpu.memory_space<vmem>>)
      tpu.yield
    }) : () -> ()
    %dma_start3A = arith.constant 0 : i32
    %dma_start3A_3 = tpu.memref_slice %arg7[%dma_start3A] : memref<5120xi32, #tpu.memory_space<vmem>> -> memref<128xi32, #tpu.memory_space<vmem>>
    %dma_start3A_4 = arith.constant 0 : i32
    %dma_start3A_5 = arith.constant 0 : i32
    %dma_start3A_6 = tpu.memref_slice %arg2[%dma_start3A_4, %dma_start3A_5] : memref<10000x64xf32, #tpu.memory_space<hbm>> -> memref<10000x64xf32, #tpu.memory_space<hbm>>
    tpu.enqueue_indirect_dma source(%dma_start3A_6 : memref<10000x64xf32, #tpu.memory_space<hbm>>) target(%arg9 : memref<128x64xf32, #tpu.memory_space<vmem>>) offsets(%dma_start3A_3 : memref<128xi32, #tpu.memory_space<vmem>>) semaphore(%arg17 : memref<!tpu.dma_semaphore, #tpu.memory_space<semaphore_mem>>)
    %dma_start3A_7 = arith.constant 0 : i32
    %dma_start3A_8 = tpu.memref_slice %arg8[%dma_start3A_7] : memref<5120xi32, #tpu.memory_space<vmem>> -> memref<128xi32, #tpu.memory_space<vmem>>
    %dma_start3A_9 = arith.constant 0 : i32
    %dma_start3A_10 = arith.constant 0 : i32
    %dma_start3A_11 = tpu.memref_slice %arg2[%dma_start3A_9, %dma_start3A_10] : memref<10000x64xf32, #tpu.memory_space<hbm>> -> memref<10000x64xf32, #tpu.memory_space<hbm>>
    tpu.enqueue_indirect_dma source(%dma_start3A_11 : memref<10000x64xf32, #tpu.memory_space<hbm>>) target(%arg13 : memref<128x64xf32, #tpu.memory_space<vmem>>) offsets(%dma_start3A_8 : memref<128xi32, #tpu.memory_space<vmem>>) semaphore(%arg17 : memref<!tpu.dma_semaphore, #tpu.memory_space<semaphore_mem>>)
    %dma_start3A_12 = arith.constant 128 : i32
    %dma_start3A_13 = tpu.memref_slice %arg7[%dma_start3A_12] : memref<5120xi32, #tpu.memory_space<vmem>> -> memref<128xi32, #tpu.memory_space<vmem>>
    %dma_start3A_14 = arith.constant 0 : i32
    %dma_start3A_15 = arith.constant 0 : i32
    %dma_start3A_16 = tpu.memref_slice %arg2[%dma_start3A_14, %dma_start3A_15] : memref<10000x64xf32, #tpu.memory_space<hbm>> -> memref<10000x64xf32, #tpu.memory_space<hbm>>
    tpu.enqueue_indirect_dma source(%dma_start3A_16 : memref<10000x64xf32, #tpu.memory_space<hbm>>) target(%arg10 : memref<128x64xf32, #tpu.memory_space<vmem>>) offsets(%dma_start3A_13 : memref<128xi32, #tpu.memory_space<vmem>>) semaphore(%arg18 : memref<!tpu.dma_semaphore, #tpu.memory_space<semaphore_mem>>)
    %dma_start3A_17 = arith.constant 128 : i32
    %dma_start3A_18 = tpu.memref_slice %arg8[%dma_start3A_17] : memref<5120xi32, #tpu.memory_space<vmem>> -> memref<128xi32, #tpu.memory_space<vmem>>
    %dma_start3A_19 = arith.constant 0 : i32
    %dma_start3A_20 = arith.constant 0 : i32
    %dma_start3A_21 = tpu.memref_slice %arg2[%dma_start3A_19, %dma_start3A_20] : memref<10000x64xf32, #tpu.memory_space<hbm>> -> memref<10000x64xf32, #tpu.memory_space<hbm>>
    tpu.enqueue_indirect_dma source(%dma_start3A_21 : memref<10000x64xf32, #tpu.memory_space<hbm>>) target(%arg14 : memref<128x64xf32, #tpu.memory_space<vmem>>) offsets(%dma_start3A_18 : memref<128xi32, #tpu.memory_space<vmem>>) semaphore(%arg18 : memref<!tpu.dma_semaphore, #tpu.memory_space<semaphore_mem>>)
    %dma_start3A_22 = arith.constant 256 : i32
    %dma_start3A_23 = tpu.memref_slice %arg7[%dma_start3A_22] : memref<5120xi32, #tpu.memory_space<vmem>> -> memref<128xi32, #tpu.memory_space<vmem>>
    %dma_start3A_24 = arith.constant 0 : i32
    %dma_start3A_25 = arith.constant 0 : i32
    %dma_start3A_26 = tpu.memref_slice %arg2[%dma_start3A_24, %dma_start3A_25] : memref<10000x64xf32, #tpu.memory_space<hbm>> -> memref<10000x64xf32, #tpu.memory_space<hbm>>
    tpu.enqueue_indirect_dma source(%dma_start3A_26 : memref<10000x64xf32, #tpu.memory_space<hbm>>) target(%arg11 : memref<128x64xf32, #tpu.memory_space<vmem>>) offsets(%dma_start3A_23 : memref<128xi32, #tpu.memory_space<vmem>>) semaphore(%arg19 : memref<!tpu.dma_semaphore, #tpu.memory_space<semaphore_mem>>)
    %dma_start3A_27 = arith.constant 256 : i32
    %dma_start3A_28 = tpu.memref_slice %arg8[%dma_start3A_27] : memref<5120xi32, #tpu.memory_space<vmem>> -> memref<128xi32, #tpu.memory_space<vmem>>
    %dma_start3A_29 = arith.constant 0 : i32
    %dma_start3A_30 = arith.constant 0 : i32
    %dma_start3A_31 = tpu.memref_slice %arg2[%dma_start3A_29, %dma_start3A_30] : memref<10000x64xf32, #tpu.memory_space<hbm>> -> memref<10000x64xf32, #tpu.memory_space<hbm>>
    tpu.enqueue_indirect_dma source(%dma_start3A_31 : memref<10000x64xf32, #tpu.memory_space<hbm>>) target(%arg15 : memref<128x64xf32, #tpu.memory_space<vmem>>) offsets(%dma_start3A_28 : memref<128xi32, #tpu.memory_space<vmem>>) semaphore(%arg19 : memref<!tpu.dma_semaphore, #tpu.memory_space<semaphore_mem>>)
    %dma_start3A_32 = arith.constant 384 : i32
    %dma_start3A_33 = tpu.memref_slice %arg7[%dma_start3A_32] : memref<5120xi32, #tpu.memory_space<vmem>> -> memref<128xi32, #tpu.memory_space<vmem>>
    %dma_start3A_34 = arith.constant 0 : i32
    %dma_start3A_35 = arith.constant 0 : i32
    %dma_start3A_36 = tpu.memref_slice %arg2[%dma_start3A_34, %dma_start3A_35] : memref<10000x64xf32, #tpu.memory_space<hbm>> -> memref<10000x64xf32, #tpu.memory_space<hbm>>
    tpu.enqueue_indirect_dma source(%dma_start3A_36 : memref<10000x64xf32, #tpu.memory_space<hbm>>) target(%arg12 : memref<128x64xf32, #tpu.memory_space<vmem>>) offsets(%dma_start3A_33 : memref<128xi32, #tpu.memory_space<vmem>>) semaphore(%arg20 : memref<!tpu.dma_semaphore, #tpu.memory_space<semaphore_mem>>)
    %dma_start3A_37 = arith.constant 384 : i32
    %dma_start3A_38 = tpu.memref_slice %arg8[%dma_start3A_37] : memref<5120xi32, #tpu.memory_space<vmem>> -> memref<128xi32, #tpu.memory_space<vmem>>
    %dma_start3A_39 = arith.constant 0 : i32
    %dma_start3A_40 = arith.constant 0 : i32
    %dma_start3A_41 = tpu.memref_slice %arg2[%dma_start3A_39, %dma_start3A_40] : memref<10000x64xf32, #tpu.memory_space<hbm>> -> memref<10000x64xf32, #tpu.memory_space<hbm>>
    tpu.enqueue_indirect_dma source(%dma_start3A_41 : memref<10000x64xf32, #tpu.memory_space<hbm>>) target(%arg16 : memref<128x64xf32, #tpu.memory_space<vmem>>) offsets(%dma_start3A_38 : memref<128xi32, #tpu.memory_space<vmem>>) semaphore(%arg20 : memref<!tpu.dma_semaphore, #tpu.memory_space<semaphore_mem>>)
    %scan3A = arith.constant 0 : i32
    %scan3A_42 = arith.constant 0 : i32
    %scan3A_43 = arith.constant 9 : i32
    %scan3A_44 = arith.addi %scan3A_42, %scan3A_43 : i32
    %scan3A_45 = arith.constant 1 : i32
    scf.for %scan3A_174 = %scan3A_42 to %scan3A_44 step %scan3A_45  : i32 {
      %mul3A_175 = arith.constant 4 : i32
      %mul3A_176 = arith.muli %scan3A_174, %mul3A_175 : i32
      %add3A_177 = arith.constant 0 : i32
      %add3A_178 = arith.addi %mul3A_176, %add3A_177 : i32
      %dma_wait3A_179 = arith.constant 0 : i32
      %dma_wait3A_180 = tpu.memref_slice %arg7[%dma_wait3A_179] : memref<5120xi32, #tpu.memory_space<vmem>> -> memref<128xi32, #tpu.memory_space<vmem>>
      %dma_wait3A_181 = arith.constant 0 : i32
      %dma_wait3A_182 = arith.constant 0 : i32
      %dma_wait3A_183 = tpu.memref_slice %arg2[%dma_wait3A_181, %dma_wait3A_182] : memref<10000x64xf32, #tpu.memory_space<hbm>> -> memref<10000x64xf32, #tpu.memory_space<hbm>>
      tpu.wait_indirect_dma semaphore(%arg17 : memref<!tpu.dma_semaphore, #tpu.memory_space<semaphore_mem>>) src(%dma_wait3A_183 : memref<10000x64xf32, #tpu.memory_space<hbm>>) dst(%arg9 : memref<128x64xf32, #tpu.memory_space<vmem>>)
      %dma_wait3A_184 = arith.constant 0 : i32
      %dma_wait3A_185 = tpu.memref_slice %arg8[%dma_wait3A_184] : memref<5120xi32, #tpu.memory_space<vmem>> -> memref<128xi32, #tpu.memory_space<vmem>>
      %dma_wait3A_186 = arith.constant 0 : i32
      %dma_wait3A_187 = arith.constant 0 : i32
      %dma_wait3A_188 = tpu.memref_slice %arg2[%dma_wait3A_186, %dma_wait3A_187] : memref<10000x64xf32, #tpu.memory_space<hbm>> -> memref<10000x64xf32, #tpu.memory_space<hbm>>
      tpu.wait_indirect_dma semaphore(%arg17 : memref<!tpu.dma_semaphore, #tpu.memory_space<semaphore_mem>>) src(%dma_wait3A_188 : memref<10000x64xf32, #tpu.memory_space<hbm>>) dst(%arg13 : memref<128x64xf32, #tpu.memory_space<vmem>>)
      %mul3A_189 = arith.constant 128 : i32
      %mul3A_190 = arith.muli %add3A_178, %mul3A_189 : i32
      %add3A_191 = arith.addi %mul3A_2, %mul3A_190 : i32
      %dma_start3A_192 = arith.constant 0 : i32
      %dma_start3A_193 = tpu.memref_slice %arg5[%add3A_191, %dma_start3A_192] : memref<163840x64xf32, #tpu.memory_space<hbm>> -> memref<128x64xf32, #tpu.memory_space<hbm>>
      %dma_start3A_194 = arith.constant 0 : i32
      %dma_start3A_195 = tpu.memref_slice %arg5[%add3A_191, %dma_start3A_194] : memref<163840x64xf32, #tpu.memory_space<hbm>> -> memref<128x64xf32, #tpu.memory_space<hbm>>
      tpu.enqueue_dma source(%arg9 : memref<128x64xf32, #tpu.memory_space<vmem>>) target(%dma_start3A_195 : memref<128x64xf32, #tpu.memory_space<hbm>>) target_semaphore(%arg21 : memref<!tpu.dma_semaphore, #tpu.memory_space<semaphore_mem>>)
      %dma_start3A_196 = arith.constant 0 : i32
      %dma_start3A_197 = tpu.memref_slice %arg6[%add3A_191, %dma_start3A_196] : memref<163840x64xf32, #tpu.memory_space<hbm>> -> memref<128x64xf32, #tpu.memory_space<hbm>>
      %dma_start3A_198 = arith.constant 0 : i32
      %dma_start3A_199 = tpu.memref_slice %arg6[%add3A_191, %dma_start3A_198] : memref<163840x64xf32, #tpu.memory_space<hbm>> -> memref<128x64xf32, #tpu.memory_space<hbm>>
      tpu.enqueue_dma source(%arg13 : memref<128x64xf32, #tpu.memory_space<vmem>>) target(%dma_start3A_199 : memref<128x64xf32, #tpu.memory_space<hbm>>) target_semaphore(%arg21 : memref<!tpu.dma_semaphore, #tpu.memory_space<semaphore_mem>>)
      %dma_wait3A_200 = arith.constant 0 : i32
      %dma_wait3A_201 = arith.constant 0 : i32
      %dma_wait3A_202 = tpu.memref_slice %arg5[%dma_wait3A_200, %dma_wait3A_201] : memref<163840x64xf32, #tpu.memory_space<hbm>> -> memref<128x64xf32, #tpu.memory_space<hbm>>
      %dma_wait3A_203 = arith.constant 0 : i32
      %dma_wait3A_204 = arith.constant 0 : i32
      %dma_wait3A_205 = tpu.memref_slice %arg5[%dma_wait3A_203, %dma_wait3A_204] : memref<163840x64xf32, #tpu.memory_space<hbm>> -> memref<128x64xf32, #tpu.memory_space<hbm>>
      tpu.wait_dma2 semaphore(%arg21 : memref<!tpu.dma_semaphore, #tpu.memory_space<semaphore_mem>>) src(%arg9 : memref<128x64xf32, #tpu.memory_space<vmem>>) dst(%dma_wait3A_205 : memref<128x64xf32, #tpu.memory_space<hbm>>)
      %dma_wait3A_206 = arith.constant 0 : i32
      %dma_wait3A_207 = arith.constant 0 : i32
      %dma_wait3A_208 = tpu.memref_slice %arg6[%dma_wait3A_206, %dma_wait3A_207] : memref<163840x64xf32, #tpu.memory_space<hbm>> -> memref<128x64xf32, #tpu.memory_space<hbm>>
      %dma_wait3A_209 = arith.constant 0 : i32
      %dma_wait3A_210 = arith.constant 0 : i32
      %dma_wait3A_211 = tpu.memref_slice %arg6[%dma_wait3A_209, %dma_wait3A_210] : memref<163840x64xf32, #tpu.memory_space<hbm>> -> memref<128x64xf32, #tpu.memory_space<hbm>>
      tpu.wait_dma2 semaphore(%arg21 : memref<!tpu.dma_semaphore, #tpu.memory_space<semaphore_mem>>) src(%arg13 : memref<128x64xf32, #tpu.memory_space<vmem>>) dst(%dma_wait3A_211 : memref<128x64xf32, #tpu.memory_space<hbm>>)
      %add3A_212 = arith.constant 4 : i32
      %add3A_213 = arith.addi %add3A_178, %add3A_212 : i32
      %mul3A_214 = arith.constant 128 : i32
      %mul3A_215 = arith.muli %add3A_213, %mul3A_214 : i32
      %dma_start3A_216 = tpu.memref_slice %arg7[%mul3A_215] : memref<5120xi32, #tpu.memory_space<vmem>> -> memref<128xi32, #tpu.memory_space<vmem>>
      %dma_start3A_217 = arith.constant 0 : i32
      %dma_start3A_218 = arith.constant 0 : i32
      %dma_start3A_219 = tpu.memref_slice %arg2[%dma_start3A_217, %dma_start3A_218] : memref<10000x64xf32, #tpu.memory_space<hbm>> -> memref<10000x64xf32, #tpu.memory_space<hbm>>
      tpu.enqueue_indirect_dma source(%dma_start3A_219 : memref<10000x64xf32, #tpu.memory_space<hbm>>) target(%arg9 : memref<128x64xf32, #tpu.memory_space<vmem>>) offsets(%dma_start3A_216 : memref<128xi32, #tpu.memory_space<vmem>>) semaphore(%arg17 : memref<!tpu.dma_semaphore, #tpu.memory_space<semaphore_mem>>)
      %mul3A_220 = arith.constant 128 : i32
      %mul3A_221 = arith.muli %add3A_213, %mul3A_220 : i32
      %dma_start3A_222 = tpu.memref_slice %arg8[%mul3A_221] : memref<5120xi32, #tpu.memory_space<vmem>> -> memref<128xi32, #tpu.memory_space<vmem>>
      %dma_start3A_223 = arith.constant 0 : i32
      %dma_start3A_224 = arith.constant 0 : i32
      %dma_start3A_225 = tpu.memref_slice %arg2[%dma_start3A_223, %dma_start3A_224] : memref<10000x64xf32, #tpu.memory_space<hbm>> -> memref<10000x64xf32, #tpu.memory_space<hbm>>
      tpu.enqueue_indirect_dma source(%dma_start3A_225 : memref<10000x64xf32, #tpu.memory_space<hbm>>) target(%arg13 : memref<128x64xf32, #tpu.memory_space<vmem>>) offsets(%dma_start3A_222 : memref<128xi32, #tpu.memory_space<vmem>>) semaphore(%arg17 : memref<!tpu.dma_semaphore, #tpu.memory_space<semaphore_mem>>)
      %mul3A_226 = arith.constant 4 : i32
      %mul3A_227 = arith.muli %scan3A_174, %mul3A_226 : i32
      %add3A_228 = arith.constant 1 : i32
      %add3A_229 = arith.addi %mul3A_227, %add3A_228 : i32
      %dma_wait3A_230 = arith.constant 0 : i32
      %dma_wait3A_231 = tpu.memref_slice %arg7[%dma_wait3A_230] : memref<5120xi32, #tpu.memory_space<vmem>> -> memref<128xi32, #tpu.memory_space<vmem>>
      %dma_wait3A_232 = arith.constant 0 : i32
      %dma_wait3A_233 = arith.constant 0 : i32
      %dma_wait3A_234 = tpu.memref_slice %arg2[%dma_wait3A_232, %dma_wait3A_233] : memref<10000x64xf32, #tpu.memory_space<hbm>> -> memref<10000x64xf32, #tpu.memory_space<hbm>>
      tpu.wait_indirect_dma semaphore(%arg18 : memref<!tpu.dma_semaphore, #tpu.memory_space<semaphore_mem>>) src(%dma_wait3A_234 : memref<10000x64xf32, #tpu.memory_space<hbm>>) dst(%arg10 : memref<128x64xf32, #tpu.memory_space<vmem>>)
      %dma_wait3A_235 = arith.constant 0 : i32
      %dma_wait3A_236 = tpu.memref_slice %arg8[%dma_wait3A_235] : memref<5120xi32, #tpu.memory_space<vmem>> -> memref<128xi32, #tpu.memory_space<vmem>>
      %dma_wait3A_237 = arith.constant 0 : i32
      %dma_wait3A_238 = arith.constant 0 : i32
      %dma_wait3A_239 = tpu.memref_slice %arg2[%dma_wait3A_237, %dma_wait3A_238] : memref<10000x64xf32, #tpu.memory_space<hbm>> -> memref<10000x64xf32, #tpu.memory_space<hbm>>
      tpu.wait_indirect_dma semaphore(%arg18 : memref<!tpu.dma_semaphore, #tpu.memory_space<semaphore_mem>>) src(%dma_wait3A_239 : memref<10000x64xf32, #tpu.memory_space<hbm>>) dst(%arg14 : memref<128x64xf32, #tpu.memory_space<vmem>>)
      %mul3A_240 = arith.constant 128 : i32
      %mul3A_241 = arith.muli %add3A_229, %mul3A_240 : i32
      %add3A_242 = arith.addi %mul3A_2, %mul3A_241 : i32
      %dma_start3A_243 = arith.constant 0 : i32
      %dma_start3A_244 = tpu.memref_slice %arg5[%add3A_242, %dma_start3A_243] : memref<163840x64xf32, #tpu.memory_space<hbm>> -> memref<128x64xf32, #tpu.memory_space<hbm>>
      %dma_start3A_245 = arith.constant 0 : i32
      %dma_start3A_246 = tpu.memref_slice %arg5[%add3A_242, %dma_start3A_245] : memref<163840x64xf32, #tpu.memory_space<hbm>> -> memref<128x64xf32, #tpu.memory_space<hbm>>
      tpu.enqueue_dma source(%arg10 : memref<128x64xf32, #tpu.memory_space<vmem>>) target(%dma_start3A_246 : memref<128x64xf32, #tpu.memory_space<hbm>>) target_semaphore(%arg22 : memref<!tpu.dma_semaphore, #tpu.memory_space<semaphore_mem>>)
      %dma_start3A_247 = arith.constant 0 : i32
      %dma_start3A_248 = tpu.memref_slice %arg6[%add3A_242, %dma_start3A_247] : memref<163840x64xf32, #tpu.memory_space<hbm>> -> memref<128x64xf32, #tpu.memory_space<hbm>>
      %dma_start3A_249 = arith.constant 0 : i32
      %dma_start3A_250 = tpu.memref_slice %arg6[%add3A_242, %dma_start3A_249] : memref<163840x64xf32, #tpu.memory_space<hbm>> -> memref<128x64xf32, #tpu.memory_space<hbm>>
      tpu.enqueue_dma source(%arg14 : memref<128x64xf32, #tpu.memory_space<vmem>>) target(%dma_start3A_250 : memref<128x64xf32, #tpu.memory_space<hbm>>) target_semaphore(%arg22 : memref<!tpu.dma_semaphore, #tpu.memory_space<semaphore_mem>>)
      %dma_wait3A_251 = arith.constant 0 : i32
      %dma_wait3A_252 = arith.constant 0 : i32
      %dma_wait3A_253 = tpu.memref_slice %arg5[%dma_wait3A_251, %dma_wait3A_252] : memref<163840x64xf32, #tpu.memory_space<hbm>> -> memref<128x64xf32, #tpu.memory_space<hbm>>
      %dma_wait3A_254 = arith.constant 0 : i32
      %dma_wait3A_255 = arith.constant 0 : i32
      %dma_wait3A_256 = tpu.memref_slice %arg5[%dma_wait3A_254, %dma_wait3A_255] : memref<163840x64xf32, #tpu.memory_space<hbm>> -> memref<128x64xf32, #tpu.memory_space<hbm>>
      tpu.wait_dma2 semaphore(%arg22 : memref<!tpu.dma_semaphore, #tpu.memory_space<semaphore_mem>>) src(%arg10 : memref<128x64xf32, #tpu.memory_space<vmem>>) dst(%dma_wait3A_256 : memref<128x64xf32, #tpu.memory_space<hbm>>)
      %dma_wait3A_257 = arith.constant 0 : i32
      %dma_wait3A_258 = arith.constant 0 : i32
      %dma_wait3A_259 = tpu.memref_slice %arg6[%dma_wait3A_257, %dma_wait3A_258] : memref<163840x64xf32, #tpu.memory_space<hbm>> -> memref<128x64xf32, #tpu.memory_space<hbm>>
      %dma_wait3A_260 = arith.constant 0 : i32
      %dma_wait3A_261 = arith.constant 0 : i32
      %dma_wait3A_262 = tpu.memref_slice %arg6[%dma_wait3A_260, %dma_wait3A_261] : memref<163840x64xf32, #tpu.memory_space<hbm>> -> memref<128x64xf32, #tpu.memory_space<hbm>>
      tpu.wait_dma2 semaphore(%arg22 : memref<!tpu.dma_semaphore, #tpu.memory_space<semaphore_mem>>) src(%arg14 : memref<128x64xf32, #tpu.memory_space<vmem>>) dst(%dma_wait3A_262 : memref<128x64xf32, #tpu.memory_space<hbm>>)
      %add3A_263 = arith.constant 4 : i32
      %add3A_264 = arith.addi %add3A_229, %add3A_263 : i32
      %mul3A_265 = arith.constant 128 : i32
      %mul3A_266 = arith.muli %add3A_264, %mul3A_265 : i32
      %dma_start3A_267 = tpu.memref_slice %arg7[%mul3A_266] : memref<5120xi32, #tpu.memory_space<vmem>> -> memref<128xi32, #tpu.memory_space<vmem>>
      %dma_start3A_268 = arith.constant 0 : i32
      %dma_start3A_269 = arith.constant 0 : i32
      %dma_start3A_270 = tpu.memref_slice %arg2[%dma_start3A_268, %dma_start3A_269] : memref<10000x64xf32, #tpu.memory_space<hbm>> -> memref<10000x64xf32, #tpu.memory_space<hbm>>
      tpu.enqueue_indirect_dma source(%dma_start3A_270 : memref<10000x64xf32, #tpu.memory_space<hbm>>) target(%arg10 : memref<128x64xf32, #tpu.memory_space<vmem>>) offsets(%dma_start3A_267 : memref<128xi32, #tpu.memory_space<vmem>>) semaphore(%arg18 : memref<!tpu.dma_semaphore, #tpu.memory_space<semaphore_mem>>)
      %mul3A_271 = arith.constant 128 : i32
      %mul3A_272 = arith.muli %add3A_264, %mul3A_271 : i32
      %dma_start3A_273 = tpu.memref_slice %arg8[%mul3A_272] : memref<5120xi32, #tpu.memory_space<vmem>> -> memref<128xi32, #tpu.memory_space<vmem>>
      %dma_start3A_274 = arith.constant 0 : i32
      %dma_start3A_275 = arith.constant 0 : i32
      %dma_start3A_276 = tpu.memref_slice %arg2[%dma_start3A_274, %dma_start3A_275] : memref<10000x64xf32, #tpu.memory_space<hbm>> -> memref<10000x64xf32, #tpu.memory_space<hbm>>
      tpu.enqueue_indirect_dma source(%dma_start3A_276 : memref<10000x64xf32, #tpu.memory_space<hbm>>) target(%arg14 : memref<128x64xf32, #tpu.memory_space<vmem>>) offsets(%dma_start3A_273 : memref<128xi32, #tpu.memory_space<vmem>>) semaphore(%arg18 : memref<!tpu.dma_semaphore, #tpu.memory_space<semaphore_mem>>)
      %mul3A_277 = arith.constant 4 : i32
      %mul3A_278 = arith.muli %scan3A_174, %mul3A_277 : i32
      %add3A_279 = arith.constant 2 : i32
      %add3A_280 = arith.addi %mul3A_278, %add3A_279 : i32
      %dma_wait3A_281 = arith.constant 0 : i32
      %dma_wait3A_282 = tpu.memref_slice %arg7[%dma_wait3A_281] : memref<5120xi32, #tpu.memory_space<vmem>> -> memref<128xi32, #tpu.memory_space<vmem>>
      %dma_wait3A_283 = arith.constant 0 : i32
      %dma_wait3A_284 = arith.constant 0 : i32
      %dma_wait3A_285 = tpu.memref_slice %arg2[%dma_wait3A_283, %dma_wait3A_284] : memref<10000x64xf32, #tpu.memory_space<hbm>> -> memref<10000x64xf32, #tpu.memory_space<hbm>>
      tpu.wait_indirect_dma semaphore(%arg19 : memref<!tpu.dma_semaphore, #tpu.memory_space<semaphore_mem>>) src(%dma_wait3A_285 : memref<10000x64xf32, #tpu.memory_space<hbm>>) dst(%arg11 : memref<128x64xf32, #tpu.memory_space<vmem>>)
      %dma_wait3A_286 = arith.constant 0 : i32
      %dma_wait3A_287 = tpu.memref_slice %arg8[%dma_wait3A_286] : memref<5120xi32, #tpu.memory_space<vmem>> -> memref<128xi32, #tpu.memory_space<vmem>>
      %dma_wait3A_288 = arith.constant 0 : i32
      %dma_wait3A_289 = arith.constant 0 : i32
      %dma_wait3A_290 = tpu.memref_slice %arg2[%dma_wait3A_288, %dma_wait3A_289] : memref<10000x64xf32, #tpu.memory_space<hbm>> -> memref<10000x64xf32, #tpu.memory_space<hbm>>
      tpu.wait_indirect_dma semaphore(%arg19 : memref<!tpu.dma_semaphore, #tpu.memory_space<semaphore_mem>>) src(%dma_wait3A_290 : memref<10000x64xf32, #tpu.memory_space<hbm>>) dst(%arg15 : memref<128x64xf32, #tpu.memory_space<vmem>>)
      %mul3A_291 = arith.constant 128 : i32
      %mul3A_292 = arith.muli %add3A_280, %mul3A_291 : i32
      %add3A_293 = arith.addi %mul3A_2, %mul3A_292 : i32
      %dma_start3A_294 = arith.constant 0 : i32
      %dma_start3A_295 = tpu.memref_slice %arg5[%add3A_293, %dma_start3A_294] : memref<163840x64xf32, #tpu.memory_space<hbm>> -> memref<128x64xf32, #tpu.memory_space<hbm>>
      %dma_start3A_296 = arith.constant 0 : i32
      %dma_start3A_297 = tpu.memref_slice %arg5[%add3A_293, %dma_start3A_296] : memref<163840x64xf32, #tpu.memory_space<hbm>> -> memref<128x64xf32, #tpu.memory_space<hbm>>
      tpu.enqueue_dma source(%arg11 : memref<128x64xf32, #tpu.memory_space<vmem>>) target(%dma_start3A_297 : memref<128x64xf32, #tpu.memory_space<hbm>>) target_semaphore(%arg23 : memref<!tpu.dma_semaphore, #tpu.memory_space<semaphore_mem>>)
      %dma_start3A_298 = arith.constant 0 : i32
      %dma_start3A_299 = tpu.memref_slice %arg6[%add3A_293, %dma_start3A_298] : memref<163840x64xf32, #tpu.memory_space<hbm>> -> memref<128x64xf32, #tpu.memory_space<hbm>>
      %dma_start3A_300 = arith.constant 0 : i32
      %dma_start3A_301 = tpu.memref_slice %arg6[%add3A_293, %dma_start3A_300] : memref<163840x64xf32, #tpu.memory_space<hbm>> -> memref<128x64xf32, #tpu.memory_space<hbm>>
      tpu.enqueue_dma source(%arg15 : memref<128x64xf32, #tpu.memory_space<vmem>>) target(%dma_start3A_301 : memref<128x64xf32, #tpu.memory_space<hbm>>) target_semaphore(%arg23 : memref<!tpu.dma_semaphore, #tpu.memory_space<semaphore_mem>>)
      %dma_wait3A_302 = arith.constant 0 : i32
      %dma_wait3A_303 = arith.constant 0 : i32
      %dma_wait3A_304 = tpu.memref_slice %arg5[%dma_wait3A_302, %dma_wait3A_303] : memref<163840x64xf32, #tpu.memory_space<hbm>> -> memref<128x64xf32, #tpu.memory_space<hbm>>
      %dma_wait3A_305 = arith.constant 0 : i32
      %dma_wait3A_306 = arith.constant 0 : i32
      %dma_wait3A_307 = tpu.memref_slice %arg5[%dma_wait3A_305, %dma_wait3A_306] : memref<163840x64xf32, #tpu.memory_space<hbm>> -> memref<128x64xf32, #tpu.memory_space<hbm>>
      tpu.wait_dma2 semaphore(%arg23 : memref<!tpu.dma_semaphore, #tpu.memory_space<semaphore_mem>>) src(%arg11 : memref<128x64xf32, #tpu.memory_space<vmem>>) dst(%dma_wait3A_307 : memref<128x64xf32, #tpu.memory_space<hbm>>)
      %dma_wait3A_308 = arith.constant 0 : i32
      %dma_wait3A_309 = arith.constant 0 : i32
      %dma_wait3A_310 = tpu.memref_slice %arg6[%dma_wait3A_308, %dma_wait3A_309] : memref<163840x64xf32, #tpu.memory_space<hbm>> -> memref<128x64xf32, #tpu.memory_space<hbm>>
      %dma_wait3A_311 = arith.constant 0 : i32
      %dma_wait3A_312 = arith.constant 0 : i32
      %dma_wait3A_313 = tpu.memref_slice %arg6[%dma_wait3A_311, %dma_wait3A_312] : memref<163840x64xf32, #tpu.memory_space<hbm>> -> memref<128x64xf32, #tpu.memory_space<hbm>>
      tpu.wait_dma2 semaphore(%arg23 : memref<!tpu.dma_semaphore, #tpu.memory_space<semaphore_mem>>) src(%arg15 : memref<128x64xf32, #tpu.memory_space<vmem>>) dst(%dma_wait3A_313 : memref<128x64xf32, #tpu.memory_space<hbm>>)
      %add3A_314 = arith.constant 4 : i32
      %add3A_315 = arith.addi %add3A_280, %add3A_314 : i32
      %mul3A_316 = arith.constant 128 : i32
      %mul3A_317 = arith.muli %add3A_315, %mul3A_316 : i32
      %dma_start3A_318 = tpu.memref_slice %arg7[%mul3A_317] : memref<5120xi32, #tpu.memory_space<vmem>> -> memref<128xi32, #tpu.memory_space<vmem>>
      %dma_start3A_319 = arith.constant 0 : i32
      %dma_start3A_320 = arith.constant 0 : i32
      %dma_start3A_321 = tpu.memref_slice %arg2[%dma_start3A_319, %dma_start3A_320] : memref<10000x64xf32, #tpu.memory_space<hbm>> -> memref<10000x64xf32, #tpu.memory_space<hbm>>
      tpu.enqueue_indirect_dma source(%dma_start3A_321 : memref<10000x64xf32, #tpu.memory_space<hbm>>) target(%arg11 : memref<128x64xf32, #tpu.memory_space<vmem>>) offsets(%dma_start3A_318 : memref<128xi32, #tpu.memory_space<vmem>>) semaphore(%arg19 : memref<!tpu.dma_semaphore, #tpu.memory_space<semaphore_mem>>)
      %mul3A_322 = arith.constant 128 : i32
      %mul3A_323 = arith.muli %add3A_315, %mul3A_322 : i32
      %dma_start3A_324 = tpu.memref_slice %arg8[%mul3A_323] : memref<5120xi32, #tpu.memory_space<vmem>> -> memref<128xi32, #tpu.memory_space<vmem>>
      %dma_start3A_325 = arith.constant 0 : i32
      %dma_start3A_326 = arith.constant 0 : i32
      %dma_start3A_327 = tpu.memref_slice %arg2[%dma_start3A_325, %dma_start3A_326] : memref<10000x64xf32, #tpu.memory_space<hbm>> -> memref<10000x64xf32, #tpu.memory_space<hbm>>
      tpu.enqueue_indirect_dma source(%dma_start3A_327 : memref<10000x64xf32, #tpu.memory_space<hbm>>) target(%arg15 : memref<128x64xf32, #tpu.memory_space<vmem>>) offsets(%dma_start3A_324 : memref<128xi32, #tpu.memory_space<vmem>>) semaphore(%arg19 : memref<!tpu.dma_semaphore, #tpu.memory_space<semaphore_mem>>)
      %mul3A_328 = arith.constant 4 : i32
      %mul3A_329 = arith.muli %scan3A_174, %mul3A_328 : i32
      %add3A_330 = arith.constant 3 : i32
      %add3A_331 = arith.addi %mul3A_329, %add3A_330 : i32
      %dma_wait3A_332 = arith.constant 0 : i32
      %dma_wait3A_333 = tpu.memref_slice %arg7[%dma_wait3A_332] : memref<5120xi32, #tpu.memory_space<vmem>> -> memref<128xi32, #tpu.memory_space<vmem>>
      %dma_wait3A_334 = arith.constant 0 : i32
      %dma_wait3A_335 = arith.constant 0 : i32
      %dma_wait3A_336 = tpu.memref_slice %arg2[%dma_wait3A_334, %dma_wait3A_335] : memref<10000x64xf32, #tpu.memory_space<hbm>> -> memref<10000x64xf32, #tpu.memory_space<hbm>>
      tpu.wait_indirect_dma semaphore(%arg20 : memref<!tpu.dma_semaphore, #tpu.memory_space<semaphore_mem>>) src(%dma_wait3A_336 : memref<10000x64xf32, #tpu.memory_space<hbm>>) dst(%arg12 : memref<128x64xf32, #tpu.memory_space<vmem>>)
      %dma_wait3A_337 = arith.constant 0 : i32
      %dma_wait3A_338 = tpu.memref_slice %arg8[%dma_wait3A_337] : memref<5120xi32, #tpu.memory_space<vmem>> -> memref<128xi32, #tpu.memory_space<vmem>>
      %dma_wait3A_339 = arith.constant 0 : i32
      %dma_wait3A_340 = arith.constant 0 : i32
      %dma_wait3A_341 = tpu.memref_slice %arg2[%dma_wait3A_339, %dma_wait3A_340] : memref<10000x64xf32, #tpu.memory_space<hbm>> -> memref<10000x64xf32, #tpu.memory_space<hbm>>
      tpu.wait_indirect_dma semaphore(%arg20 : memref<!tpu.dma_semaphore, #tpu.memory_space<semaphore_mem>>) src(%dma_wait3A_341 : memref<10000x64xf32, #tpu.memory_space<hbm>>) dst(%arg16 : memref<128x64xf32, #tpu.memory_space<vmem>>)
      %mul3A_342 = arith.constant 128 : i32
      %mul3A_343 = arith.muli %add3A_331, %mul3A_342 : i32
      %add3A_344 = arith.addi %mul3A_2, %mul3A_343 : i32
      %dma_start3A_345 = arith.constant 0 : i32
      %dma_start3A_346 = tpu.memref_slice %arg5[%add3A_344, %dma_start3A_345] : memref<163840x64xf32, #tpu.memory_space<hbm>> -> memref<128x64xf32, #tpu.memory_space<hbm>>
      %dma_start3A_347 = arith.constant 0 : i32
      %dma_start3A_348 = tpu.memref_slice %arg5[%add3A_344, %dma_start3A_347] : memref<163840x64xf32, #tpu.memory_space<hbm>> -> memref<128x64xf32, #tpu.memory_space<hbm>>
      tpu.enqueue_dma source(%arg12 : memref<128x64xf32, #tpu.memory_space<vmem>>) target(%dma_start3A_348 : memref<128x64xf32, #tpu.memory_space<hbm>>) target_semaphore(%arg24 : memref<!tpu.dma_semaphore, #tpu.memory_space<semaphore_mem>>)
      %dma_start3A_349 = arith.constant 0 : i32
      %dma_start3A_350 = tpu.memref_slice %arg6[%add3A_344, %dma_start3A_349] : memref<163840x64xf32, #tpu.memory_space<hbm>> -> memref<128x64xf32, #tpu.memory_space<hbm>>
      %dma_start3A_351 = arith.constant 0 : i32
      %dma_start3A_352 = tpu.memref_slice %arg6[%add3A_344, %dma_start3A_351] : memref<163840x64xf32, #tpu.memory_space<hbm>> -> memref<128x64xf32, #tpu.memory_space<hbm>>
      tpu.enqueue_dma source(%arg16 : memref<128x64xf32, #tpu.memory_space<vmem>>) target(%dma_start3A_352 : memref<128x64xf32, #tpu.memory_space<hbm>>) target_semaphore(%arg24 : memref<!tpu.dma_semaphore, #tpu.memory_space<semaphore_mem>>)
      %dma_wait3A_353 = arith.constant 0 : i32
      %dma_wait3A_354 = arith.constant 0 : i32
      %dma_wait3A_355 = tpu.memref_slice %arg5[%dma_wait3A_353, %dma_wait3A_354] : memref<163840x64xf32, #tpu.memory_space<hbm>> -> memref<128x64xf32, #tpu.memory_space<hbm>>
      %dma_wait3A_356 = arith.constant 0 : i32
      %dma_wait3A_357 = arith.constant 0 : i32
      %dma_wait3A_358 = tpu.memref_slice %arg5[%dma_wait3A_356, %dma_wait3A_357] : memref<163840x64xf32, #tpu.memory_space<hbm>> -> memref<128x64xf32, #tpu.memory_space<hbm>>
      tpu.wait_dma2 semaphore(%arg24 : memref<!tpu.dma_semaphore, #tpu.memory_space<semaphore_mem>>) src(%arg12 : memref<128x64xf32, #tpu.memory_space<vmem>>) dst(%dma_wait3A_358 : memref<128x64xf32, #tpu.memory_space<hbm>>)
      %dma_wait3A_359 = arith.constant 0 : i32
      %dma_wait3A_360 = arith.constant 0 : i32
      %dma_wait3A_361 = tpu.memref_slice %arg6[%dma_wait3A_359, %dma_wait3A_360] : memref<163840x64xf32, #tpu.memory_space<hbm>> -> memref<128x64xf32, #tpu.memory_space<hbm>>
      %dma_wait3A_362 = arith.constant 0 : i32
      %dma_wait3A_363 = arith.constant 0 : i32
      %dma_wait3A_364 = tpu.memref_slice %arg6[%dma_wait3A_362, %dma_wait3A_363] : memref<163840x64xf32, #tpu.memory_space<hbm>> -> memref<128x64xf32, #tpu.memory_space<hbm>>
      tpu.wait_dma2 semaphore(%arg24 : memref<!tpu.dma_semaphore, #tpu.memory_space<semaphore_mem>>) src(%arg16 : memref<128x64xf32, #tpu.memory_space<vmem>>) dst(%dma_wait3A_364 : memref<128x64xf32, #tpu.memory_space<hbm>>)
      %add3A_365 = arith.constant 4 : i32
      %add3A_366 = arith.addi %add3A_331, %add3A_365 : i32
      %mul3A_367 = arith.constant 128 : i32
      %mul3A_368 = arith.muli %add3A_366, %mul3A_367 : i32
      %dma_start3A_369 = tpu.memref_slice %arg7[%mul3A_368] : memref<5120xi32, #tpu.memory_space<vmem>> -> memref<128xi32, #tpu.memory_space<vmem>>
      %dma_start3A_370 = arith.constant 0 : i32
      %dma_start3A_371 = arith.constant 0 : i32
      %dma_start3A_372 = tpu.memref_slice %arg2[%dma_start3A_370, %dma_start3A_371] : memref<10000x64xf32, #tpu.memory_space<hbm>> -> memref<10000x64xf32, #tpu.memory_space<hbm>>
      tpu.enqueue_indirect_dma source(%dma_start3A_372 : memref<10000x64xf32, #tpu.memory_space<hbm>>) target(%arg12 : memref<128x64xf32, #tpu.memory_space<vmem>>) offsets(%dma_start3A_369 : memref<128xi32, #tpu.memory_space<vmem>>) semaphore(%arg20 : memref<!tpu.dma_semaphore, #tpu.memory_space<semaphore_mem>>)
      %mul3A_373 = arith.constant 128 : i32
      %mul3A_374 = arith.muli %add3A_366, %mul3A_373 : i32
      %dma_start3A_375 = tpu.memref_slice %arg8[%mul3A_374] : memref<5120xi32, #tpu.memory_space<vmem>> -> memref<128xi32, #tpu.memory_space<vmem>>
      %dma_start3A_376 = arith.constant 0 : i32
      %dma_start3A_377 = arith.constant 0 : i32
      %dma_start3A_378 = tpu.memref_slice %arg2[%dma_start3A_376, %dma_start3A_377] : memref<10000x64xf32, #tpu.memory_space<hbm>> -> memref<10000x64xf32, #tpu.memory_space<hbm>>
      tpu.enqueue_indirect_dma source(%dma_start3A_378 : memref<10000x64xf32, #tpu.memory_space<hbm>>) target(%arg16 : memref<128x64xf32, #tpu.memory_space<vmem>>) offsets(%dma_start3A_375 : memref<128xi32, #tpu.memory_space<vmem>>) semaphore(%arg20 : memref<!tpu.dma_semaphore, #tpu.memory_space<semaphore_mem>>)
    }
    %scan3A_46 = arith.constant 9 : i32
    %dma_wait3A = arith.constant 0 : i32
    %dma_wait3A_47 = tpu.memref_slice %arg7[%dma_wait3A] : memref<5120xi32, #tpu.memory_space<vmem>> -> memref<128xi32, #tpu.memory_space<vmem>>
    %dma_wait3A_48 = arith.constant 0 : i32
    %dma_wait3A_49 = arith.constant 0 : i32
    %dma_wait3A_50 = tpu.memref_slice %arg2[%dma_wait3A_48, %dma_wait3A_49] : memref<10000x64xf32, #tpu.memory_space<hbm>> -> memref<10000x64xf32, #tpu.memory_space<hbm>>
    tpu.wait_indirect_dma semaphore(%arg17 : memref<!tpu.dma_semaphore, #tpu.memory_space<semaphore_mem>>) src(%dma_wait3A_50 : memref<10000x64xf32, #tpu.memory_space<hbm>>) dst(%arg9 : memref<128x64xf32, #tpu.memory_space<vmem>>)
    %dma_wait3A_51 = arith.constant 0 : i32
    %dma_wait3A_52 = tpu.memref_slice %arg8[%dma_wait3A_51] : memref<5120xi32, #tpu.memory_space<vmem>> -> memref<128xi32, #tpu.memory_space<vmem>>
    %dma_wait3A_53 = arith.constant 0 : i32
    %dma_wait3A_54 = arith.constant 0 : i32
    %dma_wait3A_55 = tpu.memref_slice %arg2[%dma_wait3A_53, %dma_wait3A_54] : memref<10000x64xf32, #tpu.memory_space<hbm>> -> memref<10000x64xf32, #tpu.memory_space<hbm>>
    tpu.wait_indirect_dma semaphore(%arg17 : memref<!tpu.dma_semaphore, #tpu.memory_space<semaphore_mem>>) src(%dma_wait3A_55 : memref<10000x64xf32, #tpu.memory_space<hbm>>) dst(%arg13 : memref<128x64xf32, #tpu.memory_space<vmem>>)
    %add3A_56 = arith.constant 4608 : i32
    %add3A_57 = arith.addi %mul3A_2, %add3A_56 : i32
    %dma_start3A_58 = arith.constant 0 : i32
    %dma_start3A_59 = tpu.memref_slice %arg5[%add3A_57, %dma_start3A_58] : memref<163840x64xf32, #tpu.memory_space<hbm>> -> memref<128x64xf32, #tpu.memory_space<hbm>>
    %dma_start3A_60 = arith.constant 0 : i32
    %dma_start3A_61 = tpu.memref_slice %arg5[%add3A_57, %dma_start3A_60] : memref<163840x64xf32, #tpu.memory_space<hbm>> -> memref<128x64xf32, #tpu.memory_space<hbm>>
    tpu.enqueue_dma source(%arg9 : memref<128x64xf32, #tpu.memory_space<vmem>>) target(%dma_start3A_61 : memref<128x64xf32, #tpu.memory_space<hbm>>) target_semaphore(%arg21 : memref<!tpu.dma_semaphore, #tpu.memory_space<semaphore_mem>>)
    %dma_start3A_62 = arith.constant 0 : i32
    %dma_start3A_63 = tpu.memref_slice %arg6[%add3A_57, %dma_start3A_62] : memref<163840x64xf32, #tpu.memory_space<hbm>> -> memref<128x64xf32, #tpu.memory_space<hbm>>
    %dma_start3A_64 = arith.constant 0 : i32
    %dma_start3A_65 = tpu.memref_slice %arg6[%add3A_57, %dma_start3A_64] : memref<163840x64xf32, #tpu.memory_space<hbm>> -> memref<128x64xf32, #tpu.memory_space<hbm>>
    tpu.enqueue_dma source(%arg13 : memref<128x64xf32, #tpu.memory_space<vmem>>) target(%dma_start3A_65 : memref<128x64xf32, #tpu.memory_space<hbm>>) target_semaphore(%arg21 : memref<!tpu.dma_semaphore, #tpu.memory_space<semaphore_mem>>)
    %dma_wait3A_66 = arith.constant 0 : i32
    %dma_wait3A_67 = tpu.memref_slice %arg7[%dma_wait3A_66] : memref<5120xi32, #tpu.memory_space<vmem>> -> memref<128xi32, #tpu.memory_space<vmem>>
    %dma_wait3A_68 = arith.constant 0 : i32
    %dma_wait3A_69 = arith.constant 0 : i32
    %dma_wait3A_70 = tpu.memref_slice %arg2[%dma_wait3A_68, %dma_wait3A_69] : memref<10000x64xf32, #tpu.memory_space<hbm>> -> memref<10000x64xf32, #tpu.memory_space<hbm>>
    tpu.wait_indirect_dma semaphore(%arg18 : memref<!tpu.dma_semaphore, #tpu.memory_space<semaphore_mem>>) src(%dma_wait3A_70 : memref<10000x64xf32, #tpu.memory_space<hbm>>) dst(%arg10 : memref<128x64xf32, #tpu.memory_space<vmem>>)
    %dma_wait3A_71 = arith.constant 0 : i32
    %dma_wait3A_72 = tpu.memref_slice %arg8[%dma_wait3A_71] : memref<5120xi32, #tpu.memory_space<vmem>> -> memref<128xi32, #tpu.memory_space<vmem>>
    %dma_wait3A_73 = arith.constant 0 : i32
    %dma_wait3A_74 = arith.constant 0 : i32
    %dma_wait3A_75 = tpu.memref_slice %arg2[%dma_wait3A_73, %dma_wait3A_74] : memref<10000x64xf32, #tpu.memory_space<hbm>> -> memref<10000x64xf32, #tpu.memory_space<hbm>>
    tpu.wait_indirect_dma semaphore(%arg18 : memref<!tpu.dma_semaphore, #tpu.memory_space<semaphore_mem>>) src(%dma_wait3A_75 : memref<10000x64xf32, #tpu.memory_space<hbm>>) dst(%arg14 : memref<128x64xf32, #tpu.memory_space<vmem>>)
    %add3A_76 = arith.constant 4736 : i32
    %add3A_77 = arith.addi %mul3A_2, %add3A_76 : i32
    %dma_start3A_78 = arith.constant 0 : i32
    %dma_start3A_79 = tpu.memref_slice %arg5[%add3A_77, %dma_start3A_78] : memref<163840x64xf32, #tpu.memory_space<hbm>> -> memref<128x64xf32, #tpu.memory_space<hbm>>
    %dma_start3A_80 = arith.constant 0 : i32
    %dma_start3A_81 = tpu.memref_slice %arg5[%add3A_77, %dma_start3A_80] : memref<163840x64xf32, #tpu.memory_space<hbm>> -> memref<128x64xf32, #tpu.memory_space<hbm>>
    tpu.enqueue_dma source(%arg10 : memref<128x64xf32, #tpu.memory_space<vmem>>) target(%dma_start3A_81 : memref<128x64xf32, #tpu.memory_space<hbm>>) target_semaphore(%arg22 : memref<!tpu.dma_semaphore, #tpu.memory_space<semaphore_mem>>)
    %dma_start3A_82 = arith.constant 0 : i32
    %dma_start3A_83 = tpu.memref_slice %arg6[%add3A_77, %dma_start3A_82] : memref<163840x64xf32, #tpu.memory_space<hbm>> -> memref<128x64xf32, #tpu.memory_space<hbm>>
    %dma_start3A_84 = arith.constant 0 : i32
    %dma_start3A_85 = tpu.memref_slice %arg6[%add3A_77, %dma_start3A_84] : memref<163840x64xf32, #tpu.memory_space<hbm>> -> memref<128x64xf32, #tpu.memory_space<hbm>>
    tpu.enqueue_dma source(%arg14 : memref<128x64xf32, #tpu.memory_space<vmem>>) target(%dma_start3A_85 : memref<128x64xf32, #tpu.memory_space<hbm>>) target_semaphore(%arg22 : memref<!tpu.dma_semaphore, #tpu.memory_space<semaphore_mem>>)
    %dma_wait3A_86 = arith.constant 0 : i32
    %dma_wait3A_87 = tpu.memref_slice %arg7[%dma_wait3A_86] : memref<5120xi32, #tpu.memory_space<vmem>> -> memref<128xi32, #tpu.memory_space<vmem>>
    %dma_wait3A_88 = arith.constant 0 : i32
    %dma_wait3A_89 = arith.constant 0 : i32
    %dma_wait3A_90 = tpu.memref_slice %arg2[%dma_wait3A_88, %dma_wait3A_89] : memref<10000x64xf32, #tpu.memory_space<hbm>> -> memref<10000x64xf32, #tpu.memory_space<hbm>>
    tpu.wait_indirect_dma semaphore(%arg19 : memref<!tpu.dma_semaphore, #tpu.memory_space<semaphore_mem>>) src(%dma_wait3A_90 : memref<10000x64xf32, #tpu.memory_space<hbm>>) dst(%arg11 : memref<128x64xf32, #tpu.memory_space<vmem>>)
    %dma_wait3A_91 = arith.constant 0 : i32
    %dma_wait3A_92 = tpu.memref_slice %arg8[%dma_wait3A_91] : memref<5120xi32, #tpu.memory_space<vmem>> -> memref<128xi32, #tpu.memory_space<vmem>>
    %dma_wait3A_93 = arith.constant 0 : i32
    %dma_wait3A_94 = arith.constant 0 : i32
    %dma_wait3A_95 = tpu.memref_slice %arg2[%dma_wait3A_93, %dma_wait3A_94] : memref<10000x64xf32, #tpu.memory_space<hbm>> -> memref<10000x64xf32, #tpu.memory_space<hbm>>
    tpu.wait_indirect_dma semaphore(%arg19 : memref<!tpu.dma_semaphore, #tpu.memory_space<semaphore_mem>>) src(%dma_wait3A_95 : memref<10000x64xf32, #tpu.memory_space<hbm>>) dst(%arg15 : memref<128x64xf32, #tpu.memory_space<vmem>>)
    %add3A_96 = arith.constant 4864 : i32
    %add3A_97 = arith.addi %mul3A_2, %add3A_96 : i32
    %dma_start3A_98 = arith.constant 0 : i32
    %dma_start3A_99 = tpu.memref_slice %arg5[%add3A_97, %dma_start3A_98] : memref<163840x64xf32, #tpu.memory_space<hbm>> -> memref<128x64xf32, #tpu.memory_space<hbm>>
    %dma_start3A_100 = arith.constant 0 : i32
    %dma_start3A_101 = tpu.memref_slice %arg5[%add3A_97, %dma_start3A_100] : memref<163840x64xf32, #tpu.memory_space<hbm>> -> memref<128x64xf32, #tpu.memory_space<hbm>>
    tpu.enqueue_dma source(%arg11 : memref<128x64xf32, #tpu.memory_space<vmem>>) target(%dma_start3A_101 : memref<128x64xf32, #tpu.memory_space<hbm>>) target_semaphore(%arg23 : memref<!tpu.dma_semaphore, #tpu.memory_space<semaphore_mem>>)
    %dma_start3A_102 = arith.constant 0 : i32
    %dma_start3A_103 = tpu.memref_slice %arg6[%add3A_97, %dma_start3A_102] : memref<163840x64xf32, #tpu.memory_space<hbm>> -> memref<128x64xf32, #tpu.memory_space<hbm>>
    %dma_start3A_104 = arith.constant 0 : i32
    %dma_start3A_105 = tpu.memref_slice %arg6[%add3A_97, %dma_start3A_104] : memref<163840x64xf32, #tpu.memory_space<hbm>> -> memref<128x64xf32, #tpu.memory_space<hbm>>
    tpu.enqueue_dma source(%arg15 : memref<128x64xf32, #tpu.memory_space<vmem>>) target(%dma_start3A_105 : memref<128x64xf32, #tpu.memory_space<hbm>>) target_semaphore(%arg23 : memref<!tpu.dma_semaphore, #tpu.memory_space<semaphore_mem>>)
    %dma_wait3A_106 = arith.constant 0 : i32
    %dma_wait3A_107 = tpu.memref_slice %arg7[%dma_wait3A_106] : memref<5120xi32, #tpu.memory_space<vmem>> -> memref<128xi32, #tpu.memory_space<vmem>>
    %dma_wait3A_108 = arith.constant 0 : i32
    %dma_wait3A_109 = arith.constant 0 : i32
    %dma_wait3A_110 = tpu.memref_slice %arg2[%dma_wait3A_108, %dma_wait3A_109] : memref<10000x64xf32, #tpu.memory_space<hbm>> -> memref<10000x64xf32, #tpu.memory_space<hbm>>
    tpu.wait_indirect_dma semaphore(%arg20 : memref<!tpu.dma_semaphore, #tpu.memory_space<semaphore_mem>>) src(%dma_wait3A_110 : memref<10000x64xf32, #tpu.memory_space<hbm>>) dst(%arg12 : memref<128x64xf32, #tpu.memory_space<vmem>>)
    %dma_wait3A_111 = arith.constant 0 : i32
    %dma_wait3A_112 = tpu.memref_slice %arg8[%dma_wait3A_111] : memref<5120xi32, #tpu.memory_space<vmem>> -> memref<128xi32, #tpu.memory_space<vmem>>
    %dma_wait3A_113 = arith.constant 0 : i32
    %dma_wait3A_114 = arith.constant 0 : i32
    %dma_wait3A_115 = tpu.memref_slice %arg2[%dma_wait3A_113, %dma_wait3A_114] : memref<10000x64xf32, #tpu.memory_space<hbm>> -> memref<10000x64xf32, #tpu.memory_space<hbm>>
    tpu.wait_indirect_dma semaphore(%arg20 : memref<!tpu.dma_semaphore, #tpu.memory_space<semaphore_mem>>) src(%dma_wait3A_115 : memref<10000x64xf32, #tpu.memory_space<hbm>>) dst(%arg16 : memref<128x64xf32, #tpu.memory_space<vmem>>)
    %add3A_116 = arith.constant 4992 : i32
    %add3A_117 = arith.addi %mul3A_2, %add3A_116 : i32
    %dma_start3A_118 = arith.constant 0 : i32
    %dma_start3A_119 = tpu.memref_slice %arg5[%add3A_117, %dma_start3A_118] : memref<163840x64xf32, #tpu.memory_space<hbm>> -> memref<128x64xf32, #tpu.memory_space<hbm>>
    %dma_start3A_120 = arith.constant 0 : i32
    %dma_start3A_121 = tpu.memref_slice %arg5[%add3A_117, %dma_start3A_120] : memref<163840x64xf32, #tpu.memory_space<hbm>> -> memref<128x64xf32, #tpu.memory_space<hbm>>
    tpu.enqueue_dma source(%arg12 : memref<128x64xf32, #tpu.memory_space<vmem>>) target(%dma_start3A_121 : memref<128x64xf32, #tpu.memory_space<hbm>>) target_semaphore(%arg24 : memref<!tpu.dma_semaphore, #tpu.memory_space<semaphore_mem>>)
    %dma_start3A_122 = arith.constant 0 : i32
    %dma_start3A_123 = tpu.memref_slice %arg6[%add3A_117, %dma_start3A_122] : memref<163840x64xf32, #tpu.memory_space<hbm>> -> memref<128x64xf32, #tpu.memory_space<hbm>>
    %dma_start3A_124 = arith.constant 0 : i32
    %dma_start3A_125 = tpu.memref_slice %arg6[%add3A_117, %dma_start3A_124] : memref<163840x64xf32, #tpu.memory_space<hbm>> -> memref<128x64xf32, #tpu.memory_space<hbm>>
    tpu.enqueue_dma source(%arg16 : memref<128x64xf32, #tpu.memory_space<vmem>>) target(%dma_start3A_125 : memref<128x64xf32, #tpu.memory_space<hbm>>) target_semaphore(%arg24 : memref<!tpu.dma_semaphore, #tpu.memory_space<semaphore_mem>>)
    %dma_wait3A_126 = arith.constant 0 : i32
    %dma_wait3A_127 = arith.constant 0 : i32
    %dma_wait3A_128 = tpu.memref_slice %arg5[%dma_wait3A_126, %dma_wait3A_127] : memref<163840x64xf32, #tpu.memory_space<hbm>> -> memref<128x64xf32, #tpu.memory_space<hbm>>
    %dma_wait3A_129 = arith.constant 0 : i32
    %dma_wait3A_130 = arith.constant 0 : i32
    %dma_wait3A_131 = tpu.memref_slice %arg5[%dma_wait3A_129, %dma_wait3A_130] : memref<163840x64xf32, #tpu.memory_space<hbm>> -> memref<128x64xf32, #tpu.memory_space<hbm>>
    tpu.wait_dma2 semaphore(%arg21 : memref<!tpu.dma_semaphore, #tpu.memory_space<semaphore_mem>>) src(%arg9 : memref<128x64xf32, #tpu.memory_space<vmem>>) dst(%dma_wait3A_131 : memref<128x64xf32, #tpu.memory_space<hbm>>)
    %dma_wait3A_132 = arith.constant 0 : i32
    %dma_wait3A_133 = arith.constant 0 : i32
    %dma_wait3A_134 = tpu.memref_slice %arg6[%dma_wait3A_132, %dma_wait3A_133] : memref<163840x64xf32, #tpu.memory_space<hbm>> -> memref<128x64xf32, #tpu.memory_space<hbm>>
    %dma_wait3A_135 = arith.constant 0 : i32
    %dma_wait3A_136 = arith.constant 0 : i32
    %dma_wait3A_137 = tpu.memref_slice %arg6[%dma_wait3A_135, %dma_wait3A_136] : memref<163840x64xf32, #tpu.memory_space<hbm>> -> memref<128x64xf32, #tpu.memory_space<hbm>>
    tpu.wait_dma2 semaphore(%arg21 : memref<!tpu.dma_semaphore, #tpu.memory_space<semaphore_mem>>) src(%arg13 : memref<128x64xf32, #tpu.memory_space<vmem>>) dst(%dma_wait3A_137 : memref<128x64xf32, #tpu.memory_space<hbm>>)
    %dma_wait3A_138 = arith.constant 0 : i32
    %dma_wait3A_139 = arith.constant 0 : i32
    %dma_wait3A_140 = tpu.memref_slice %arg5[%dma_wait3A_138, %dma_wait3A_139] : memref<163840x64xf32, #tpu.memory_space<hbm>> -> memref<128x64xf32, #tpu.memory_space<hbm>>
    %dma_wait3A_141 = arith.constant 0 : i32
    %dma_wait3A_142 = arith.constant 0 : i32
    %dma_wait3A_143 = tpu.memref_slice %arg5[%dma_wait3A_141, %dma_wait3A_142] : memref<163840x64xf32, #tpu.memory_space<hbm>> -> memref<128x64xf32, #tpu.memory_space<hbm>>
    tpu.wait_dma2 semaphore(%arg22 : memref<!tpu.dma_semaphore, #tpu.memory_space<semaphore_mem>>) src(%arg10 : memref<128x64xf32, #tpu.memory_space<vmem>>) dst(%dma_wait3A_143 : memref<128x64xf32, #tpu.memory_space<hbm>>)
    %dma_wait3A_144 = arith.constant 0 : i32
    %dma_wait3A_145 = arith.constant 0 : i32
    %dma_wait3A_146 = tpu.memref_slice %arg6[%dma_wait3A_144, %dma_wait3A_145] : memref<163840x64xf32, #tpu.memory_space<hbm>> -> memref<128x64xf32, #tpu.memory_space<hbm>>
    %dma_wait3A_147 = arith.constant 0 : i32
    %dma_wait3A_148 = arith.constant 0 : i32
    %dma_wait3A_149 = tpu.memref_slice %arg6[%dma_wait3A_147, %dma_wait3A_148] : memref<163840x64xf32, #tpu.memory_space<hbm>> -> memref<128x64xf32, #tpu.memory_space<hbm>>
    tpu.wait_dma2 semaphore(%arg22 : memref<!tpu.dma_semaphore, #tpu.memory_space<semaphore_mem>>) src(%arg14 : memref<128x64xf32, #tpu.memory_space<vmem>>) dst(%dma_wait3A_149 : memref<128x64xf32, #tpu.memory_space<hbm>>)
    %dma_wait3A_150 = arith.constant 0 : i32
    %dma_wait3A_151 = arith.constant 0 : i32
    %dma_wait3A_152 = tpu.memref_slice %arg5[%dma_wait3A_150, %dma_wait3A_151] : memref<163840x64xf32, #tpu.memory_space<hbm>> -> memref<128x64xf32, #tpu.memory_space<hbm>>
    %dma_wait3A_153 = arith.constant 0 : i32
    %dma_wait3A_154 = arith.constant 0 : i32
    %dma_wait3A_155 = tpu.memref_slice %arg5[%dma_wait3A_153, %dma_wait3A_154] : memref<163840x64xf32, #tpu.memory_space<hbm>> -> memref<128x64xf32, #tpu.memory_space<hbm>>
    tpu.wait_dma2 semaphore(%arg23 : memref<!tpu.dma_semaphore, #tpu.memory_space<semaphore_mem>>) src(%arg11 : memref<128x64xf32, #tpu.memory_space<vmem>>) dst(%dma_wait3A_155 : memref<128x64xf32, #tpu.memory_space<hbm>>)
    %dma_wait3A_156 = arith.constant 0 : i32
    %dma_wait3A_157 = arith.constant 0 : i32
    %dma_wait3A_158 = tpu.memref_slice %arg6[%dma_wait3A_156, %dma_wait3A_157] : memref<163840x64xf32, #tpu.memory_space<hbm>> -> memref<128x64xf32, #tpu.memory_space<hbm>>
    %dma_wait3A_159 = arith.constant 0 : i32
    %dma_wait3A_160 = arith.constant 0 : i32
    %dma_wait3A_161 = tpu.memref_slice %arg6[%dma_wait3A_159, %dma_wait3A_160] : memref<163840x64xf32, #tpu.memory_space<hbm>> -> memref<128x64xf32, #tpu.memory_space<hbm>>
    tpu.wait_dma2 semaphore(%arg23 : memref<!tpu.dma_semaphore, #tpu.memory_space<semaphore_mem>>) src(%arg15 : memref<128x64xf32, #tpu.memory_space<vmem>>) dst(%dma_wait3A_161 : memref<128x64xf32, #tpu.memory_space<hbm>>)
    %dma_wait3A_162 = arith.constant 0 : i32
    %dma_wait3A_163 = arith.constant 0 : i32
    %dma_wait3A_164 = tpu.memref_slice %arg5[%dma_wait3A_162, %dma_wait3A_163] : memref<163840x64xf32, #tpu.memory_space<hbm>> -> memref<128x64xf32, #tpu.memory_space<hbm>>
    %dma_wait3A_165 = arith.constant 0 : i32
    %dma_wait3A_166 = arith.constant 0 : i32
    %dma_wait3A_167 = tpu.memref_slice %arg5[%dma_wait3A_165, %dma_wait3A_166] : memref<163840x64xf32, #tpu.memory_space<hbm>> -> memref<128x64xf32, #tpu.memory_space<hbm>>
    tpu.wait_dma2 semaphore(%arg24 : memref<!tpu.dma_semaphore, #tpu.memory_space<semaphore_mem>>) src(%arg12 : memref<128x64xf32, #tpu.memory_space<vmem>>) dst(%dma_wait3A_167 : memref<128x64xf32, #tpu.memory_space<hbm>>)
    %dma_wait3A_168 = arith.constant 0 : i32
    %dma_wait3A_169 = arith.constant 0 : i32
    %dma_wait3A_170 = tpu.memref_slice %arg6[%dma_wait3A_168, %dma_wait3A_169] : memref<163840x64xf32, #tpu.memory_space<hbm>> -> memref<128x64xf32, #tpu.memory_space<hbm>>
    %dma_wait3A_171 = arith.constant 0 : i32
    %dma_wait3A_172 = arith.constant 0 : i32
    %dma_wait3A_173 = tpu.memref_slice %arg6[%dma_wait3A_171, %dma_wait3A_172] : memref<163840x64xf32, #tpu.memory_space<hbm>> -> memref<128x64xf32, #tpu.memory_space<hbm>>
    tpu.wait_dma2 semaphore(%arg24 : memref<!tpu.dma_semaphore, #tpu.memory_space<semaphore_mem>>) src(%arg16 : memref<128x64xf32, #tpu.memory_space<vmem>>) dst(%dma_wait3A_173 : memref<128x64xf32, #tpu.memory_space<hbm>>)
    return
  }
}

</mosaic_0001>

<sc_bundles>
// kernel: _gather.3.cloned.1.call-start
scs
__scs_entry_jumppad:
0x0: {  	(pc) =	sbr.rel $0x88, $3  }
0x1: {  	(tag) =	ssettag $0x0;
	lr =	simm.s32 $0x1  }
0x2: {  	[smem:$0x3F9E] =	sst lr;
	_ =	strace $0xD0000000  }
0x3: {  	_ = 	snop  }
0x4: {  	_ = 	snop  }
0x5: {  	_ = 	snop  }
0x6: {  	_ = 	snop  }
0x7: {  	_ = 	snop  }
__scs_overlays_trampoline_lowered:
0x8: {  	[smem:$0x3FAD] =	sst s0  }
0x9: {  	[smem:$0x3FAE] =	sst s1  }
0xa: {  	[smem:$0x3FAF] =	sst s2  }
0xb: {  	[smem:$0x3FB0] =	sst s3  }
0xc: {  	[smem:$0x3FB1] =	sst s4  }
0xd: {  	[smem:$0x3FB2] =	sst s5  }
0xe: {  	[smem:$0x3FB3] =	sst s6  }
0xf: {  	[smem:$0x3FB4] =	sst s7  }
0x10: {  	[smem:$0x3FB5] =	sst s8  }
0x11: {  	[smem:$0x3FB6] =	sst s9;
	s0 =	simm.s32 @!p0 $0x0  }
0x12: {  	s1 =	sld [smem:$0x3F9C];
	s0 =	simm.s32 @p0 $0x1  }
0x13: {  	[smem:$0x3FB7] =	sst s0;
	s0 =	simm.s32 @!p1 $0x0  }
0x14: {  	s2 =	sld [smem:$0x3F9B];
	s0 =	simm.s32 @p1 $0x1  }
0x15: {  	[smem:$0x3FB8] =	sst s0;
	s0 =	simm.s32 @!p2 $0x0  }
0x16: {  	s3 =	sld [smem:$0x3FDB];
	s0 =	simm.s32 @p2 $0x1  }
0x17: {  	s4 =	simm.s32 $0x1BF5;
	[smem:$0x3FBA] =	sst s0  }
0x18: {  	s0 =	sld [smem:$0x3F9D];
	_ =	swait.ge [sflag:s4], $0x0  }
0x19: {  	s7 =	sld [smem:$0x3F9E]  }
0x1a: {  	s8 =	sadd.s32 $0xFFFFE003, lr  }
0x1b: {  	s9 =	sadd.s32 $0xFFFFFEF7, lr;
	s5 =	simm.s32 $0xFFFFFFFF;
	p2 =	slt.u32 s8, $0xFFFFF086  }
0x1c: {  	p1 =	slt.u32 s9, $0xF7A;
	s5 =	simm.s32 @!p2 $0x0  }
0x1d: {  	s5 =	simm.s32 @p1 $0x1;
	p0 =	seq.s32 s7, s2  }
0x1e: {  	s7 =	smul.u32 @!p0 $0xF7A, s2;
	p2 =	seq.s32 @!p0 s5, $0x0  }
0x1f: {  	s9 =	smul.u32 $0xF7A, s1;
	s8 =	simm.s32 @!p0 $0x1BF5;
	p2 =	por !p2, p0  }
0x20: {  	[sflag:s8] =	ssyncset.s32 @!p0 $0xFFFFF086;
	s6 =	sadd.s32 @!p0 s3, s7;
	s7 =	simm.s32 @!p0 $0x108  }
0x21: {  	s3 =	sadd.s32 s3, s9;
	s6 =	sadd.s32 @!p0 $0x88, s6;
	s7 =	simm.s32 @p2 $0x1082  }
0x22: {  	[simem:s7], [sflag:s8] =	dma.local @!p0 [hbm:s6], $0xF7A  }
0x23: {  	s9 =	sor.u32 $0xD0000000, s2;
	s6 =	simm.s32 $0x108;
	_ =	swait.ge @!p0 [sflag:s8], $0x0  }
0x24: {  	s3 =	sadd.s32 $0x88, s3;
	s6 =	simm.s32 @!p1 $0x1082;
	[sflag:s4] =	ssyncset.s32 $0xFFFFF086  }
0x25: {  	[simem:s6], [sflag:s4] =	dma.local [hbm:s3], $0xF7A  }
0x26: {  	[smem:$0x3F9E] =	sst s1;
	(tag) =	ssettag s2;
	_ =	strace s9  }
0x27: {  	s1 =	sld [smem:$0x3FAE]  }
0x28: {  	s2 =	sld [smem:$0x3FAF]  }
0x29: {  	s4 =	sld [smem:$0x3FB1]  }
0x2a: {  	p0 =	seq.s32 s5, $0x0;
	s5 =	sld [smem:$0x3FB2]  }
0x2b: {  	s6 =	sld [smem:$0x3FB3]  }
0x2c: {  	s7 =	sld [smem:$0x3FB4]  }
0x2d: {  	s3 =	simm.s32 $0x108;
	s8 =	sld [smem:$0x3FB5]  }
0x2e: {  	s3 =	simm.s32 @!p0 $0x1082;
	s9 =	sld [smem:$0x3FB6]  }
0x2f: {  	lr =	sadd.s32 s0, s3;
	s0 =	sld [smem:$0x3FAD]  }
0x30: {  	s3 =	sld [smem:$0x3FB0]  }
0x31: {  	[smem:$0x3FB9] =	sst s10  }
0x32: {  	s10 =	sld [smem:$0x3FB7];
	_ =	sdelay $0x3  }
0x33: {  	p0 =	seq.s32 s10, $0x1;
	s10 =	sld [smem:$0x3FB9];
	_ =	sdelay $0x3  }
0x34: {  	[smem:$0x3FB9] =	sst s10  }
0x35: {  	s10 =	sld [smem:$0x3FB8];
	_ =	sdelay $0x3  }
0x36: {  	p1 =	seq.s32 s10, $0x1;
	s10 =	sld [smem:$0x3FB9];
	_ =	sdelay $0x3  }
0x37: {  	[smem:$0x3FB9] =	sst s10  }
0x38: {  	s10 =	sld [smem:$0x3FBA]  }
0x39: {  	_ = 	snop;
	(pc) =	sbr.ind lr, $3  }
0x3a: {  	_ = 	snop  }
0x3b: {  	_ = 	snop  }
0x3c: {  	p2 =	seq.s32 s10, $0x1;
	s10 =	sld [smem:$0x3FB9]  }
0x3d: {  	_ =	shalt  }
0x3e: {  	_ =	shalt  }
0x3f: {  	_ =	shalt  }
0x40: {  	_ =	shalt  }
0x41: {  	_ =	shalt  }
0x42: {  	_ =	shalt  }
0x43: {  	_ =	shalt  }
0x44: {  	_ =	shalt  }
0x45: {  	_ =	shalt  }
0x46: {  	_ =	shalt  }
0x47: {  	_ =	shalt  }
0x48: {  	_ =	shalt  }
0x49: {  	_ =	shalt  }
0x4a: {  	_ =	shalt  }
0x4b: {  	_ =	shalt  }
0x4c: {  	_ =	shalt  }
0x4d: {  	_ =	shalt  }
0x4e: {  	_ =	shalt  }
0x4f: {  	_ =	shalt  }
0x50: {  	_ =	shalt  }
0x51: {  	_ =	shalt  }
0x52: {  	_ =	shalt  }
0x53: {  	_ =	shalt  }
0x54: {  	_ =	shalt  }
0x55: {  	_ =	shalt  }
0x56: {  	_ =	shalt  }
0x57: {  	_ =	shalt  }
0x58: {  	_ =	shalt  }
0x59: {  	_ =	shalt  }
0x5a: {  	_ =	shalt  }
0x5b: {  	_ =	shalt  }
0x5c: {  	_ =	shalt  }
0x5d: {  	_ =	shalt  }
0x5e: {  	_ =	shalt  }
0x5f: {  	_ =	shalt  }
0x60: {  	_ =	shalt  }
0x61: {  	_ =	shalt  }
0x62: {  	_ =	shalt  }
0x63: {  	_ =	shalt  }
0x64: {  	_ =	shalt  }
0x65: {  	_ =	shalt  }
0x66: {  	_ =	shalt  }
0x67: {  	_ =	shalt  }
0x68: {  	_ =	shalt  }
0x69: {  	_ =	shalt  }
0x6a: {  	_ =	shalt  }
0x6b: {  	_ =	shalt  }
0x6c: {  	_ =	shalt  }
0x6d: {  	_ =	shalt  }
0x6e: {  	_ =	shalt  }
0x6f: {  	_ =	shalt  }
0x70: {  	_ =	shalt  }
0x71: {  	_ =	shalt  }
0x72: {  	_ =	shalt  }
0x73: {  	_ =	shalt  }
0x74: {  	_ =	shalt  }
0x75: {  	_ =	shalt  }
0x76: {  	_ =	shalt  }
0x77: {  	_ =	shalt  }
0x78: {  	_ =	shalt  }
0x79: {  	_ =	shalt  }
0x7a: {  	_ =	shalt  }
0x7b: {  	_ =	shalt  }
0x7c: {  	_ =	shalt  }
0x7d: {  	_ =	shalt  }
0x7e: {  	_ =	shalt  }
0x7f: {  	_ =	shalt  }
0x80: {  	_ =	shalt  }
0x81: {  	_ =	shalt  }
0x82: {  	_ =	shalt  }
0x83: {  	_ =	shalt  }
0x84: {  	_ =	shalt  }
0x85: {  	_ =	shalt  }
0x86: {  	_ =	shalt  }
0x87: {  	_ =	shalt  }
.Lfunc_end0:
.L_simem_size_0:
called_computation.2_lowered:
.L_overlay_start_0:
0x88: {  	s2 =	sld [smem:$0x3FD9]  }
0x89: {  	s3 =	sld [smem:$0x3FFE];
	_ =	sdelay $0x1  }
0x8a: {  	s1 =	srdreg.scid  }
0x8b: {  	s0 =	sand.u32 $0x1, s1  }
0x8c: {  	s14 =	sshll.u32 s0, $0xA;
	s2 =	sadd.s32 s3, s2  }
0x8d: {  	s2 =	sadd.s32 s2, s14  }
0x8e: {  	[smem:$0x3FC5] =	sst s2  }
0x8f: {  	_ = 	snop  }
0x90: {  	s2 =	sld [smem:$0x3FD0];
	_ =	sdelay $0x1  }
0x91: {  	s15 =	sld [smem:$0x3FC8]  }
0x92: {  	s5 =	simm.s32 $0xB;
	s6 =	simm.s32 $0x10;
	s4 =	sld [smem:$0x3FC7]  }
0x93: {  	[smem:s6], [sflag:s5] =	dma.local [hbm:s2], $0x1  }
0x94: {  	_ =	swait.eq [sflag:s5], $0x1  }
0x95: {  	[sflag:s5] =	ssyncset.done $0x0  }
0x96: {  	s16 =	sld [smem:$0x10];
	[sflag:s5] =	ssyncadd.s32 $0xFFFFFFFF  }
0x97: {  	s17 =	sld [smem:$0x11];
	(tm) =	ssettm $0x1  }
0x98: {  	s18 =	sld [smem:$0x3FFB];
	_ =	sdelay $0x3  }
0x99: {  	_ =	strace s18  }
0x9a: {  	s6 =	sld [smem:$0x3FFC];
	_ =	sdelay $0x3  }
0x9b: {  	_ =	strace s6  }
0x9c: {  	s6 =	sld [smem:$0x3FFD];
	_ =	sdelay $0x3  }
0x9d: {  	_ =	strace s6  }
0x9e: {  	_ =	strace $0x8FFFFFFF  }
0x9f: {  	s19 =	sld [smem:$0x3FDB];
	_ =	sdelay $0x1  }
0xa0: {  	s7 =	simm.s32 $_scs_section_size  }
0xa1: {  	s8 =	simm.s32 $_size__tile_overlayer_lowered;
	s9 =	simm.s32 $_tile_overlayer_lowered  }
0xa2: {  	s22 =	simm.s32 $0x1BFF;
	s21 =	sshll.u32 s9, $0x1;
	s6 =	sadd.s32 s7, s19  }
0xa3: {  	s10 =	simm.s32 $0x0;
	s20 =	sshll.u32 s8, $0x1;
	s8 =	sadd.s32 s21, s6  }
0xa4: {  	[timem:s10], [sflag:s22] =	dma.local [hbm:s8], s20  }
0xa5: {  	_ =	swait.ge [sflag:s22], s20  }
0xa6: {  	s7 =	ssub.s32 $0x0, s20;
	[sflag:s22] =	ssyncset.done $0x0  }
0xa7: {  	[sflag:s22] =	ssyncadd.s32 s7;
	_ =	sdelay $0x1  }
0xa8: {  	s23 =	simm.s32 $0x1B8B  }
0xa9: {  	_ =	swait.ge [sflag:s23], $0x1  }
0xaa: {  	[sflag:s23] =	ssyncset.done $0x0  }
0xab: {  	s25 =	simm.s32 $0x1B8E;
	s24 =	sld [smem:$0x3FFE];
	[sflag:s23] =	ssyncadd.s32 $0xFFFFFFFF  }
0xac: {  	s26 =	simm.s32 $execute0_lowered;
	[smem:$0x3FD2] =	sst s25  }
0xad: {  	s8 =	sshll.u32 s26, $0x1;
	_ =	strace $0x80000046;
	[dreg:$0x1] =	wrdreg $0xFFFFFFFF  }
0xae: {  	s28 =	simm.s32 $_size_execute0_lowered;
	s6 =	sadd.s32 s6, s8;
	[dreg:$0x0] =	wrdreg $0x0  }
0xaf: {  	s8 =	sshll.u32 s28, $0x1;
	[dreg:$0x2] =	wrdreg s6  }
0xb0: {  	[dreg:$0x3] =	wrdreg s8  }
0xb1: {  	[dreg:$0x4] =	wrdreg $0xC0  }
0xb2: {  	_ =	task [dreg:s10], $0x5FFFF  }
0xb3: {  	[dreg:$0x1] =	wrdreg $0xFFFFFFFF  }
0xb4: {  	[dreg:$0x0] =	wrdreg $0x60  }
0xb5: {  	[dreg:$0x2] =	wrdreg s24  }
0xb6: {  	[dreg:$0x3] =	wrdreg s15  }
0xb7: {  	[dreg:$0x4] =	wrdreg s4  }
0xb8: {  	[dreg:$0x5] =	wrdreg s16  }
0xb9: {  	[dreg:$0x6] =	wrdreg s17  }
0xba: {  	[dreg:$0x7] =	wrdreg $0x9  }
0xbb: {  	_ =	task.clear_ibuf [dreg:s10], $0x8FFFF;
	_ =	strace $0x90000046  }
0xbc: {  	s29 =	simm.s32 $0x9;
	_ =	strace $0x80000048  }
0xbd: {  	_ =	swait.ge [sflag:s29], $0x1  }
0xbe: {  	[sflag:s29] =	ssyncadd.s32 $0xFFFFFFFF  }
0xbf: {  	_ =	strace $0x90000048  }
0xc0: {  	_ =	sfence  }
0xc1: {  	s30 =	sld [smem:$0x0];
	_ =	sdelay $0x2  }
0xc2: {  	s31 =	sshll.u32 s1, $0xD;
	s1 =	sshrl.u32 s1, $0x2  }
0xc3: {  	s3 =	sand.u32 $0x4000, s31;
	s1 =	sadd.s32 s1, s30  }
0xc4: {  	s0 =	sor.u32 s3, s0;
	s1 =	sshll.u32 s1, $0x11  }
0xc5: {  	s0 =	sor.u32 s1, s0  }
0xc6: {  	s0 =	sadd.s32 $0x8F2B, s0  }
0xc7: {  	[sflag:s0] =	ssyncadd.remote.s32 $0x1  }
0xc8: {  	_ =	sfence.sel $0xFFFF  }
0xc9: {  	[dreg:$0x0] =	wrdreg $0xFFFFFFFF;
	(pc) =	sbr.abs _section_cstart, $3  }
0xca: {  	[dreg:$0x1] =	wrdreg $0xFFFFFFFF  }
0xcb: {  	_ =	task.clear_ibuf [dreg:s10], $0x2FFFF;
	_ =	strace $0x9FFFFFFF  }
0xcc: {  	(tm) =	ssettm $0x7FFFFFFF  }
0xcd: {  	_ =	shalt  }
tec
execute0_lowered:
.L_overlay_start_1:
0x0: {  	(tag) =	ssettag $0x1  }
0x1: {  	s0 =	rddreg [dreg:$0x0]  }
0x2: {  	s1 =	rddreg [dreg:$0x1]  }
0x3: {  	s4 =	rddreg [dreg:$0x2]  }
0x4: {  	s5 =	rddreg [dreg:$0x3];
	s2 =	srdreg.scid  }
0x5: {  	s12 =	stileid.u32;
	s6 =	rddreg [dreg:$0x4]  }
0x6: {  	s29 =	simm.s32 $0x8800;
	s31 =	simm.s32 $0x10800;
	s22 =	smul.u32 $0xA0000, s12  }
0x7: {  	s28 =	simm.s32 $0x7;
	s7 =	sand.u32 $0x1, s2;
	s26 =	smul.u32 $0x2800, s12  }
0x8: {  	s20 =	sshll.u32 s12, $0x1;
	s2 =	simm.s32 $0x0;
	s24 =	smul.u32 $0x50000, s7  }
0x9: {  	s3 =	sor.u32 s7, s20;
	s8 =	ssub.s32 $0x2, s7;
	s7 =	smul.u32 $0x1400, s7  }
0xa: {  	s30 =	simm.s32 $0x4;
	[smem:$0x7FF] =	sst s2;
	s9 =	smul.u32 $0x1400, s3  }
0xb: {  	s10 =	sshrl.u32 s8, $0x1;
	s11 =	smul.u32 $0x50000, s3;
	_ =	strace $0x80000047  }
0xc: {  	s3 =	sadd.s32 $0x1000, s0;
	s0 =	ssub.s32 s8, s10;
	s21 =	sshrl.u32 s9, $0x3  }
0xd: {  	s14 =	sadd.s32 s24, s22;
	s9 =	sshrl.u32 s11, $0x3;
	s1 =	sadd.s32 s1, s21  }
0xe: {  	s23 =	sadd.s32 $0x9000, s9;
	s4 =	sadd.s32 s4, s21;
	[dreg:$0xe] =	wrdreg s1  }
0xf: {  	s12 =	sadd.s32 $0x9400, s9;
	[dreg:$0xf] =	wrdreg s4;
	s25 =	sadd.s32 s5, s23  }
0x10: {  	s15 =	sadd.s32 $0x9800, s9;
	s1 =	sadd.s32 s6, s23;
	[dreg:$0x10] =	wrdreg s25  }
0x11: {  	s22 =	sadd.s32 $0x9C00, s9;
	s13 =	sadd.s32 s5, s12;
	[dreg:$0x11] =	wrdreg s1  }
0x12: {  	s4 =	sadd.s32 s7, s26;
	s16 =	sadd.s32 s5, s15;
	[dreg:$0x12] =	wrdreg s13  }
0x13: {  	s8 =	sadd.s32 s6, s15;
	s15 =	simm.s32 $0x9;
	[dreg:$0x14] =	wrdreg s16  }
0x14: {  	s1 =	sadd.s32 s6, s12;
	s4 =	sshll.u32 s4, $0x3;
	[dreg:$0x15] =	wrdreg s8  }
0x15: {  	s12 =	sadd.s32 s5, s22;
	s13 =	sadd.s32 s6, s22;
	s16 =	simm.s32 $0x1400  }
0x16: {  	s22 =	simm.s32 $0xC800;
	[dreg:$0x13] =	wrdreg s1;
	s1 =	sshrl.u32 s14, $0x3  }
0x17: {  	s18 =	sor.u32 $0xC00, s4;
	s21 =	sor.u32 $0x800, s4;
	s17 =	sadd.s32 s1, s6  }
0x18: {  	s4 =	sor.u32 $0x400, s4;
	s1 =	sadd.s32 s1, s5;
	[dreg:$0x6] =	wrdreg s17  }
0x19: {  	s14 =	smax.u32 s0, $0x1;
	s19 =	sadd.s32 s18, s5;
	[dreg:$0x7] =	wrdreg s1  }
0x1a: {  	s0 =	simm.s32 $0x5;
	s20 =	sadd.s32 s18, s6;
	[dreg:$0x8] =	wrdreg s19  }
0x1b: {  	s23 =	sadd.s32 s21, s5;
	s24 =	sadd.s32 s21, s6;
	[dreg:$0x9] =	wrdreg s20  }
0x1c: {  	s25 =	sadd.s32 s4, s5;
	s26 =	sadd.s32 s4, s6;
	[dreg:$0xa] =	wrdreg s23  }
0x1d: {  	s18 =	simm.s32 $0x2800;
	s21 =	simm.s32 $0x2;
	[dreg:$0xb] =	wrdreg s24  }
0x1e: {  	s4 =	simm.s32 $0x8;
	s5 =	simm.s32 $0x0;
	[dreg:$0xc] =	wrdreg s25  }
0x1f: {  	[dreg:$0xd] =	wrdreg s26;
	s17 =	simm.s32 $0x80;
	s19 =	simm.s32 $0xA800  }
0x20: {  	s20 =	simm.s32 $0x4800;
	s24 =	simm.s32 $0x6800;
	s26 =	simm.s32 $0xE800  }
0x21: {  	s1 =	simm.s32 $0x1;
	s23 =	simm.s32 $0x6;
	s25 =	simm.s32 $0x3  }
.LBB2_1:
0x22: {  	s6 =	rddreg [dreg:$0xe]  }
0x23: {  	[tilespmem:s2], [sflag:$0x9] =	stream.linear.gather [hbm4b:s6+s2], $0x1400, $0x38;
	[tilespmem:$0x12800] =	vst v63  }
0x24: {  	_ =	swait.ge [sflag:s15], $0x1400  }
0x25: {  	[sflag:s15] =	ssyncset.done $0x0  }
0x26: {  	s8 =	rddreg [dreg:$0xf];
	[sflag:s15] =	ssyncadd.s32 $0xFFFFEC00  }
0x27: {  	[tilespmem:s16], [sflag:$0x9] =	stream.linear.gather [hbm4b:s8+s2], $0x1400, $0x38;
	[tilespmem:$0x12800] =	vst v63  }
0x28: {  	_ =	swait.ge [sflag:s15], $0x1400  }
0x29: {  	[sflag:s15] =	ssyncset.done $0x0  }
0x2a: {  	[sflag:s15] =	ssyncadd.s32 $0xFFFFEC00  }
0x2b: {  	[tilespmem:s18], [sflag:$0x1] =	stream.indirect.gather [hbm4b:s3+s17], $0x40, s2, s17, $0xb8;
	[tilespmem:$0x12800] =	vst v63  }
0x2c: {  	_ = 	snop  }
0x2d: {  	[tilespmem:s19], [sflag:$0x1] =	stream.indirect.gather [hbm4b:s3+s17], $0x40, s16, s17, $0xb8;
	[tilespmem:$0x12800] =	vst v63  }
0x2e: {  	_ = 	snop  }
0x2f: {  	[tilespmem:s20], [sflag:$0x2] =	stream.indirect.gather [hbm4b:s3+s17], $0x40, s17, s17, $0xb8;
	[tilespmem:$0x12800] =	vst v63  }
0x30: {  	s9 =	simm.s32 $0x1480  }
0x31: {  	[tilespmem:s22], [sflag:$0x2] =	stream.indirect.gather [hbm4b:s3+s17], $0x40, s9, s17, $0xb8;
	[tilespmem:$0x12800] =	vst v63  }
0x32: {  	s10 =	simm.s32 $0x100  }
0x33: {  	[tilespmem:s24], [sflag:$0x3] =	stream.indirect.gather [hbm4b:s3+s17], $0x40, s10, s17, $0xb8;
	[tilespmem:$0x12800] =	vst v63  }
0x34: {  	s11 =	simm.s32 $0x1500  }
0x35: {  	[tilespmem:s26], [sflag:$0x3] =	stream.indirect.gather [hbm4b:s3+s17], $0x40, s11, s17, $0xb8;
	[tilespmem:$0x12800] =	vst v63  }
0x36: {  	s7 =	simm.s32 $0x180  }
0x37: {  	[tilespmem:s29], [sflag:$0x4] =	stream.indirect.gather [hbm4b:s3+s17], $0x40, s7, s17, $0xb8;
	[tilespmem:$0x12800] =	vst v63  }
0x38: {  	s8 =	simm.s32 $0x1580  }
0x39: {  	[tilespmem:s31], [sflag:$0x4] =	stream.indirect.gather [hbm4b:s3+s17], $0x40, s8, s17, $0xb8;
	[tilespmem:$0x12800] =	vst v63  }
0x3a: {  	_ =	swait.ge [sflag:s1], $0x2000  }
0x3b: {  	[sflag:s1] =	ssyncset.done $0x0  }
0x3c: {  	[sflag:s1] =	ssyncadd.s32 $0xFFFFE000  }
0x3d: {  	_ =	swait.ge [sflag:s1], $0x2000  }
0x3e: {  	s9 =	rddreg [dreg:$0x7];
	[sflag:s1] =	ssyncset.done $0x0  }
0x3f: {  	s7 =	rddreg [dreg:$0x6];
	[sflag:s1] =	ssyncadd.s32 $0xFFFFE000;
	s6 =	sadd.s32 $0x0, s9  }
0x40: {  	[hbm4b:s6+s2] =	stream.linear.scatter [tilespmem:s18], [sflag:$0x5], $0x2000, $0x38;
	[tilespmem:$0x12800] =	vst v63  }
0x41: {  	s10 =	sadd.s32 $0x0, s7  }
0x42: {  	[hbm4b:s10+s2] =	stream.linear.scatter [tilespmem:s19], [sflag:$0x5], $0x2000, $0x38;
	[tilespmem:$0x12800] =	vst v63  }
0x43: {  	_ =	swait.ge [sflag:s0], $0x2000  }
0x44: {  	[sflag:s0] =	ssyncset.done $0x0  }
0x45: {  	[sflag:s0] =	ssyncadd.s32 $0xFFFFE000  }
0x46: {  	_ =	swait.ge [sflag:s0], $0x2000  }
0x47: {  	[sflag:s0] =	ssyncset.done $0x0  }
0x48: {  	s11 =	simm.s32 $0x200;
	[sflag:s0] =	ssyncadd.s32 $0xFFFFE000  }
0x49: {  	[tilespmem:s18], [sflag:$0x1] =	stream.indirect.gather [hbm4b:s3+s17], $0x40, s11, s17, $0xb8;
	[tilespmem:$0x12800] =	vst v63  }
0x4a: {  	s7 =	simm.s32 $0x1600  }
0x4b: {  	[tilespmem:s19], [sflag:$0x1] =	stream.indirect.gather [hbm4b:s3+s17], $0x40, s7, s17, $0xb8;
	[tilespmem:$0x12800] =	vst v63  }
0x4c: {  	_ =	swait.ge [sflag:s21], $0x2000  }
0x4d: {  	[sflag:s21] =	ssyncset.done $0x0  }
0x4e: {  	[sflag:s21] =	ssyncadd.s32 $0xFFFFE000  }
0x4f: {  	_ =	swait.ge [sflag:s21], $0x2000  }
0x50: {  	s8 =	rddreg [dreg:$0xc];
	[sflag:s21] =	ssyncset.done $0x0  }
0x51: {  	s9 =	rddreg [dreg:$0xd];
	[sflag:s21] =	ssyncadd.s32 $0xFFFFE000;
	s6 =	sadd.s32 $0x0, s8  }
0x52: {  	[hbm4b:s6+s2] =	stream.linear.scatter [tilespmem:s20], [sflag:$0x6], $0x2000, $0x38;
	[tilespmem:$0x12800] =	vst v63  }
0x53: {  	s10 =	sadd.s32 $0x0, s9  }
0x54: {  	[hbm4b:s10+s2] =	stream.linear.scatter [tilespmem:s22], [sflag:$0x6], $0x2000, $0x38;
	[tilespmem:$0x12800] =	vst v63  }
0x55: {  	_ =	swait.ge [sflag:s23], $0x2000  }
0x56: {  	[sflag:s23] =	ssyncset.done $0x0  }
0x57: {  	[sflag:s23] =	ssyncadd.s32 $0xFFFFE000  }
0x58: {  	_ =	swait.ge [sflag:s23], $0x2000  }
0x59: {  	[sflag:s23] =	ssyncset.done $0x0  }
0x5a: {  	s11 =	simm.s32 $0x280;
	[sflag:s23] =	ssyncadd.s32 $0xFFFFE000  }
0x5b: {  	[tilespmem:s20], [sflag:$0x2] =	stream.indirect.gather [hbm4b:s3+s17], $0x40, s11, s17, $0xb8;
	[tilespmem:$0x12800] =	vst v63  }
0x5c: {  	s7 =	simm.s32 $0x1680  }
0x5d: {  	[tilespmem:s22], [sflag:$0x2] =	stream.indirect.gather [hbm4b:s3+s17], $0x40, s7, s17, $0xb8;
	[tilespmem:$0x12800] =	vst v63  }
0x5e: {  	_ =	swait.ge [sflag:s25], $0x2000  }
0x5f: {  	[sflag:s25] =	ssyncset.done $0x0  }
0x60: {  	[sflag:s25] =	ssyncadd.s32 $0xFFFFE000  }
0x61: {  	_ =	swait.ge [sflag:s25], $0x2000  }
0x62: {  	s8 =	rddreg [dreg:$0xa];
	[sflag:s25] =	ssyncset.done $0x0  }
0x63: {  	s9 =	rddreg [dreg:$0xb];
	[sflag:s25] =	ssyncadd.s32 $0xFFFFE000;
	s6 =	sadd.s32 $0x0, s8  }
0x64: {  	[hbm4b:s6+s2] =	stream.linear.scatter [tilespmem:s24], [sflag:$0x7], $0x2000, $0x38;
	[tilespmem:$0x12800] =	vst v63  }
0x65: {  	s10 =	sadd.s32 $0x0, s9  }
0x66: {  	[hbm4b:s10+s2] =	stream.linear.scatter [tilespmem:s26], [sflag:$0x7], $0x2000, $0x38;
	[tilespmem:$0x12800] =	vst v63  }
0x67: {  	_ =	swait.ge [sflag:s28], $0x2000  }
0x68: {  	[sflag:s28] =	ssyncset.done $0x0  }
0x69: {  	[sflag:s28] =	ssyncadd.s32 $0xFFFFE000  }
0x6a: {  	_ =	swait.ge [sflag:s28], $0x2000  }
0x6b: {  	[sflag:s28] =	ssyncset.done $0x0  }
0x6c: {  	s11 =	simm.s32 $0x300;
	[sflag:s28] =	ssyncadd.s32 $0xFFFFE000  }
0x6d: {  	[tilespmem:s24], [sflag:$0x3] =	stream.indirect.gather [hbm4b:s3+s17], $0x40, s11, s17, $0xb8;
	[tilespmem:$0x12800] =	vst v63  }
0x6e: {  	s7 =	simm.s32 $0x1700  }
0x6f: {  	[tilespmem:s26], [sflag:$0x3] =	stream.indirect.gather [hbm4b:s3+s17], $0x40, s7, s17, $0xb8;
	[tilespmem:$0x12800] =	vst v63  }
0x70: {  	_ =	swait.ge [sflag:s30], $0x2000  }
0x71: {  	[sflag:s30] =	ssyncset.done $0x0  }
0x72: {  	[sflag:s30] =	ssyncadd.s32 $0xFFFFE000  }
0x73: {  	_ =	swait.ge [sflag:s30], $0x2000  }
0x74: {  	s8 =	rddreg [dreg:$0x8];
	[sflag:s30] =	ssyncset.done $0x0  }
0x75: {  	s9 =	rddreg [dreg:$0x9];
	[sflag:s30] =	ssyncadd.s32 $0xFFFFE000;
	s6 =	sadd.s32 $0x0, s8  }
0x76: {  	[hbm4b:s6+s2] =	stream.linear.scatter [tilespmem:s29], [sflag:$0x8], $0x2000, $0x38;
	[tilespmem:$0x12800] =	vst v63  }
0x77: {  	s10 =	sadd.s32 $0x0, s9  }
0x78: {  	[hbm4b:s10+s2] =	stream.linear.scatter [tilespmem:s31], [sflag:$0x8], $0x2000, $0x38;
	[tilespmem:$0x12800] =	vst v63  }
0x79: {  	_ =	swait.ge [sflag:s4], $0x2000  }
0x7a: {  	[sflag:s4] =	ssyncset.done $0x0  }
0x7b: {  	[sflag:s4] =	ssyncadd.s32 $0xFFFFE000  }
0x7c: {  	_ =	swait.ge [sflag:s4], $0x2000  }
0x7d: {  	s11 =	simm.s32 $0x380;
	s7 =	simm.s32 $0x800;
	[sflag:s4] =	ssyncset.done $0x0  }
0x7e: {  	s8 =	simm.s32 $0x1780;
	s6 =	simm.s32 $0x1000;
	[sflag:s4] =	ssyncadd.s32 $0xFFFFE000  }
0x7f: {  	[tilespmem:s29], [sflag:$0x4] =	stream.indirect.gather [hbm4b:s3+s17], $0x40, s11, s17, $0xb8;
	[tilespmem:$0x12800] =	vst v63  }
.LBB2_2:
0x80: {  	[tilespmem:s31], [sflag:$0x4] =	stream.indirect.gather [hbm4b:s3+s17], $0x40, s8, s17, $0xb8;
	[tilespmem:$0x12800] =	vst v63  }
0x81: {  	_ =	swait.ge [sflag:s1], $0x2000  }
0x82: {  	[sflag:s1] =	ssyncset.done $0x0  }
0x83: {  	[sflag:s1] =	ssyncadd.s32 $0xFFFFE000  }
0x84: {  	_ =	swait.ge [sflag:s1], $0x2000  }
0x85: {  	s8 =	smov.u32 s6;
	s9 =	rddreg [dreg:$0x7];
	[sflag:s1] =	ssyncset.done $0x0  }
0x86: {  	s10 =	rddreg [dreg:$0x6];
	[sflag:s1] =	ssyncadd.s32 $0xFFFFE000;
	s9 =	sadd.s32 s8, s9  }
0x87: {  	[hbm4b:s9+s2] =	stream.linear.scatter [tilespmem:s18], [sflag:$0x5], $0x2000, $0x38;
	[tilespmem:$0x12800] =	vst v63  }
0x88: {  	s10 =	sadd.s32 s8, s10  }
0x89: {  	[hbm4b:s10+s2] =	stream.linear.scatter [tilespmem:s19], [sflag:$0x5], $0x2000, $0x38;
	[tilespmem:$0x12800] =	vst v63  }
0x8a: {  	_ =	swait.ge [sflag:s0], $0x2000  }
0x8b: {  	[sflag:s0] =	ssyncset.done $0x0  }
0x8c: {  	[sflag:s0] =	ssyncadd.s32 $0xFFFFE000  }
0x8d: {  	_ =	swait.ge [sflag:s0], $0x2000  }
0x8e: {  	s9 =	sshra.s32 s7, $0x2;
	[sflag:s0] =	ssyncset.done $0x0  }
0x8f: {  	s11 =	sadd.s32 $0x200, s9;
	[sflag:s0] =	ssyncadd.s32 $0xFFFFE000  }
0x90: {  	[tilespmem:s18], [sflag:$0x1] =	stream.indirect.gather [hbm4b:s3+s17], $0x40, s11, s17, $0xb8;
	[tilespmem:$0x12800] =	vst v63  }
0x91: {  	s11 =	sadd.s32 $0x1600, s9  }
0x92: {  	[tilespmem:s19], [sflag:$0x1] =	stream.indirect.gather [hbm4b:s3+s17], $0x40, s11, s17, $0xb8;
	[tilespmem:$0x12800] =	vst v63  }
0x93: {  	_ =	swait.ge [sflag:s21], $0x2000  }
0x94: {  	[sflag:s21] =	ssyncset.done $0x0  }
0x95: {  	[sflag:s21] =	ssyncadd.s32 $0xFFFFE000  }
0x96: {  	_ =	swait.ge [sflag:s21], $0x2000  }
0x97: {  	s10 =	rddreg [dreg:$0xc];
	[sflag:s21] =	ssyncset.done $0x0  }
0x98: {  	s11 =	rddreg [dreg:$0xd];
	[sflag:s21] =	ssyncadd.s32 $0xFFFFE000;
	s10 =	sadd.s32 s8, s10  }
0x99: {  	[hbm4b:s10+s2] =	stream.linear.scatter [tilespmem:s20], [sflag:$0x6], $0x2000, $0x38;
	[tilespmem:$0x12800] =	vst v63  }
0x9a: {  	s11 =	sadd.s32 s8, s11  }
0x9b: {  	[hbm4b:s11+s2] =	stream.linear.scatter [tilespmem:s22], [sflag:$0x6], $0x2000, $0x38;
	[tilespmem:$0x12800] =	vst v63  }
0x9c: {  	_ =	swait.ge [sflag:s23], $0x2000  }
0x9d: {  	[sflag:s23] =	ssyncset.done $0x0  }
0x9e: {  	[sflag:s23] =	ssyncadd.s32 $0xFFFFE000  }
0x9f: {  	_ =	swait.ge [sflag:s23], $0x2000  }
0xa0: {  	[sflag:s23] =	ssyncset.done $0x0  }
0xa1: {  	s11 =	sadd.s32 $0x280, s9;
	[sflag:s23] =	ssyncadd.s32 $0xFFFFE000  }
0xa2: {  	[tilespmem:s20], [sflag:$0x2] =	stream.indirect.gather [hbm4b:s3+s17], $0x40, s11, s17, $0xb8;
	[tilespmem:$0x12800] =	vst v63  }
0xa3: {  	s11 =	sadd.s32 $0x1680, s9  }
0xa4: {  	[tilespmem:s22], [sflag:$0x2] =	stream.indirect.gather [hbm4b:s3+s17], $0x40, s11, s17, $0xb8;
	[tilespmem:$0x12800] =	vst v63  }
0xa5: {  	_ =	swait.ge [sflag:s25], $0x2000  }
0xa6: {  	[sflag:s25] =	ssyncset.done $0x0  }
0xa7: {  	[sflag:s25] =	ssyncadd.s32 $0xFFFFE000  }
0xa8: {  	_ =	swait.ge [sflag:s25], $0x2000  }
0xa9: {  	s10 =	rddreg [dreg:$0xa];
	[sflag:s25] =	ssyncset.done $0x0  }
0xaa: {  	s11 =	rddreg [dreg:$0xb];
	[sflag:s25] =	ssyncadd.s32 $0xFFFFE000;
	s10 =	sadd.s32 s8, s10  }
0xab: {  	[hbm4b:s10+s2] =	stream.linear.scatter [tilespmem:s24], [sflag:$0x7], $0x2000, $0x38;
	[tilespmem:$0x12800] =	vst v63  }
0xac: {  	s11 =	sadd.s32 s8, s11  }
0xad: {  	[hbm4b:s11+s2] =	stream.linear.scatter [tilespmem:s26], [sflag:$0x7], $0x2000, $0x38;
	[tilespmem:$0x12800] =	vst v63  }
0xae: {  	_ =	swait.ge [sflag:s28], $0x2000  }
0xaf: {  	[sflag:s28] =	ssyncset.done $0x0  }
0xb0: {  	[sflag:s28] =	ssyncadd.s32 $0xFFFFE000  }
0xb1: {  	_ =	swait.ge [sflag:s28], $0x2000  }
0xb2: {  	[sflag:s28] =	ssyncset.done $0x0  }
0xb3: {  	s11 =	sadd.s32 $0x300, s9;
	[sflag:s28] =	ssyncadd.s32 $0xFFFFE000  }
0xb4: {  	[tilespmem:s24], [sflag:$0x3] =	stream.indirect.gather [hbm4b:s3+s17], $0x40, s11, s17, $0xb8;
	[tilespmem:$0x12800] =	vst v63  }
0xb5: {  	s11 =	sadd.s32 $0x1700, s9  }
0xb6: {  	[tilespmem:s26], [sflag:$0x3] =	stream.indirect.gather [hbm4b:s3+s17], $0x40, s11, s17, $0xb8;
	[tilespmem:$0x12800] =	vst v63  }
0xb7: {  	_ =	swait.ge [sflag:s30], $0x2000  }
0xb8: {  	[sflag:s30] =	ssyncset.done $0x0  }
0xb9: {  	[sflag:s30] =	ssyncadd.s32 $0xFFFFE000  }
0xba: {  	_ =	swait.ge [sflag:s30], $0x2000  }
0xbb: {  	s10 =	rddreg [dreg:$0x8];
	[sflag:s30] =	ssyncset.done $0x0  }
0xbc: {  	s11 =	rddreg [dreg:$0x9];
	[sflag:s30] =	ssyncadd.s32 $0xFFFFE000;
	s10 =	sadd.s32 s8, s10  }
0xbd: {  	[hbm4b:s10+s2] =	stream.linear.scatter [tilespmem:s29], [sflag:$0x8], $0x2000, $0x38;
	[tilespmem:$0x12800] =	vst v63  }
0xbe: {  	s8 =	sadd.s32 s8, s11  }
0xbf: {  	[hbm4b:s8+s2] =	stream.linear.scatter [tilespmem:s31], [sflag:$0x8], $0x2000, $0x38;
	[tilespmem:$0x12800] =	vst v63  }
0xc0: {  	_ =	swait.ge [sflag:s4], $0x2000  }
0xc1: {  	p0 =	sne.s32 s6, $0x8000;
	[sflag:s4] =	ssyncset.done $0x0  }
.Ltmp0:
0xc2: {  	[sflag:s4] =	ssyncadd.s32 $0xFFFFE000;
	(pc) =	sbr.rel @p0 .LBB2_2-.Ltmp0, $4  }
0xc3: {  	_ =	swait.ge [sflag:s4], $0x2000  }
0xc4: {  	s6 =	sadd.s32 $0x1000, s6;
	s7 =	sadd.s32 $0x800, s7;
	[sflag:s4] =	ssyncset.done $0x0  }
0xc5: {  	s11 =	sadd.s32 $0x380, s9;
	s8 =	sadd.s32 $0x1780, s9;
	[sflag:s4] =	ssyncadd.s32 $0xFFFFE000  }
0xc6: {  	[tilespmem:s29], [sflag:$0x4] =	stream.indirect.gather [hbm4b:s3+s17], $0x40, s11, s17, $0xb8;
	[tilespmem:$0x12800] =	vst v63  }
0xc7: {  	[tilespmem:s31], [sflag:$0x4] =	stream.indirect.gather [hbm4b:s3+s17], $0x40, s8, s17, $0xb8;
	[tilespmem:$0x12800] =	vst v63  }
0xc8: {  	_ =	swait.ge [sflag:s1], $0x2000  }
0xc9: {  	[sflag:s1] =	ssyncset.done $0x0  }
0xca: {  	[sflag:s1] =	ssyncadd.s32 $0xFFFFE000  }
0xcb: {  	_ =	swait.ge [sflag:s1], $0x2000  }
0xcc: {  	[sflag:s1] =	ssyncset.done $0x0  }
0xcd: {  	s6 =	rddreg [dreg:$0x10];
	[sflag:s1] =	ssyncadd.s32 $0xFFFFE000  }
0xce: {  	[hbm4b:s6+s2] =	stream.linear.scatter [tilespmem:s18], [sflag:$0x5], $0x2000, $0x38;
	[tilespmem:$0x12800] =	vst v63  }
0xcf: {  	s7 =	rddreg [dreg:$0x11]  }
0xd0: {  	[hbm4b:s7+s2] =	stream.linear.scatter [tilespmem:s19], [sflag:$0x5], $0x2000, $0x38;
	[tilespmem:$0x12800] =	vst v63  }
0xd1: {  	_ =	swait.ge [sflag:s21], $0x2000  }
0xd2: {  	[sflag:s21] =	ssyncset.done $0x0  }
0xd3: {  	[sflag:s21] =	ssyncadd.s32 $0xFFFFE000  }
0xd4: {  	_ =	swait.ge [sflag:s21], $0x2000  }
0xd5: {  	[sflag:s21] =	ssyncset.done $0x0  }
0xd6: {  	s8 =	rddreg [dreg:$0x12];
	[sflag:s21] =	ssyncadd.s32 $0xFFFFE000  }
0xd7: {  	[hbm4b:s8+s2] =	stream.linear.scatter [tilespmem:s20], [sflag:$0x6], $0x2000, $0x38;
	[tilespmem:$0x12800] =	vst v63  }
0xd8: {  	s9 =	rddreg [dreg:$0x13]  }
0xd9: {  	[hbm4b:s9+s2] =	stream.linear.scatter [tilespmem:s22], [sflag:$0x6], $0x2000, $0x38;
	[tilespmem:$0x12800] =	vst v63  }
0xda: {  	_ =	swait.ge [sflag:s25], $0x2000  }
0xdb: {  	[sflag:s25] =	ssyncset.done $0x0  }
0xdc: {  	[sflag:s25] =	ssyncadd.s32 $0xFFFFE000  }
0xdd: {  	_ =	swait.ge [sflag:s25], $0x2000  }
0xde: {  	[sflag:s25] =	ssyncset.done $0x0  }
0xdf: {  	s10 =	rddreg [dreg:$0x14];
	[sflag:s25] =	ssyncadd.s32 $0xFFFFE000  }
0xe0: {  	[hbm4b:s10+s2] =	stream.linear.scatter [tilespmem:s24], [sflag:$0x7], $0x2000, $0x38;
	[tilespmem:$0x12800] =	vst v63  }
0xe1: {  	s11 =	rddreg [dreg:$0x15]  }
0xe2: {  	[hbm4b:s11+s2] =	stream.linear.scatter [tilespmem:s26], [sflag:$0x7], $0x2000, $0x38;
	[tilespmem:$0x12800] =	vst v63  }
0xe3: {  	_ =	swait.ge [sflag:s30], $0x2000  }
0xe4: {  	[sflag:s30] =	ssyncset.done $0x0  }
0xe5: {  	[sflag:s30] =	ssyncadd.s32 $0xFFFFE000  }
0xe6: {  	_ =	swait.ge [sflag:s30], $0x2000  }
0xe7: {  	[sflag:s30] =	ssyncset.done $0x0  }
0xe8: {  	[sflag:s30] =	ssyncadd.s32 $0xFFFFE000  }
0xe9: {  	[hbm4b:s12+s2] =	stream.linear.scatter [tilespmem:s29], [sflag:$0x8], $0x2000, $0x38;
	[tilespmem:$0x12800] =	vst v63  }
0xea: {  	_ = 	snop  }
0xeb: {  	[hbm4b:s13+s2] =	stream.linear.scatter [tilespmem:s31], [sflag:$0x8], $0x2000, $0x38;
	[tilespmem:$0x12800] =	vst v63  }
0xec: {  	_ =	swait.ge [sflag:s0], $0x2000  }
0xed: {  	[sflag:s0] =	ssyncset.done $0x0  }
0xee: {  	[sflag:s0] =	ssyncadd.s32 $0xFFFFE000  }
0xef: {  	_ =	swait.ge [sflag:s0], $0x2000  }
0xf0: {  	[sflag:s0] =	ssyncset.done $0x0  }
0xf1: {  	[sflag:s0] =	ssyncadd.s32 $0xFFFFE000  }
0xf2: {  	_ =	swait.ge [sflag:s23], $0x2000  }
0xf3: {  	[sflag:s23] =	ssyncset.done $0x0  }
0xf4: {  	[sflag:s23] =	ssyncadd.s32 $0xFFFFE000  }
0xf5: {  	_ =	swait.ge [sflag:s23], $0x2000  }
0xf6: {  	[sflag:s23] =	ssyncset.done $0x0  }
0xf7: {  	[sflag:s23] =	ssyncadd.s32 $0xFFFFE000  }
0xf8: {  	_ =	swait.ge [sflag:s28], $0x2000  }
0xf9: {  	[sflag:s28] =	ssyncset.done $0x0  }
0xfa: {  	[sflag:s28] =	ssyncadd.s32 $0xFFFFE000  }
0xfb: {  	_ =	swait.ge [sflag:s28], $0x2000  }
0xfc: {  	[sflag:s28] =	ssyncset.done $0x0  }
0xfd: {  	s5 =	sadd.s32 $0x1, s5;
	[sflag:s28] =	ssyncadd.s32 $0xFFFFE000  }
0xfe: {  	p0 =	sne.s32 s5, s14;
	_ =	swait.ge [sflag:s4], $0x2000  }
.Ltmp1:
0xff: {  	[sflag:s4] =	ssyncset.done $0x0;
	(pc) =	sbr.rel @p0 .LBB2_1-.Ltmp1, $4  }
0x100: {  	[sflag:s4] =	ssyncadd.s32 $0xFFFFE000  }
0x101: {  	_ =	swait.ge [sflag:s4], $0x2000  }
0x102: {  	[sflag:s4] =	ssyncset.done $0x0  }
0x103: {  	[sflag:s4] =	ssyncadd.s32 $0xFFFFE000  }
0x104: {  	_ =	sfence.sel $0x180000  }
0x105: {  	[bflag:$0x0] =	sbarrier.arrive $0xFFFF  }
0x106: {  	_ =	strace $0x90000047  }
0x107: {  	s0 =	stileid.u32;
	[bflag:$0x2] =	sbarrier.arrive $0xFFFF  }
0x108: {  	p0 =	sne.s32 s0, $0x0;
	s0 =	rddreg [dreg:$0x5]  }
0x109: {  	s0 =	sadd.s32 @!p0 $0x100000, s0  }
0x10a: {  	[sflag:s0] =	ssyncadd.tile.s32 @!p0 $0x1;
	_ =	shalt  }
.Lfunc_end2:
_tile_overlayer_lowered:
.L_overlay_start_2:
0x10b: {  	(tag) =	ssettag $0x2  }
0x10c: {  	s0 =	rddreg [dreg:$0x0];
	s2 =	stileid.u32  }
0x10d: {  	s1 =	rddreg [dreg:$0x1];
	p0 =	sne.s32 s2, $0x0  }
0x10e: {  	s3 =	rddreg [dreg:$0x2];
	[bflag:$0x3] =	sbarrier.arrive $0xFFFF;
	s2 =	simm.s32 @!p0 $0x1C09  }
0x10f: {  	[timem:s3], [sflag:s2] =	dma.local @!p0 [hbm:s0], s1  }
0x110: {  	s0 =	simm.s32 @!p0 $0x9  }
0x111: {  	_ =	swait.ge @!p0 [sflag:s0], s1  }
0x112: {  	s1 =	ssub.s32 @!p0 $0x0, s1;
	[sflag:s0] =	ssyncset.done @!p0 $0x0  }
0x113: {  	[sflag:s0] =	ssyncadd.s32 @!p0 s1  }
0x114: {  	[bflag:$0x3] =	sbarrier.arrive $0xFFFF  }
0x115: {  	_ =	shalt  }

// kernel: sparse-core-data-format-call.1.cloned.1.call-start
scs
called_computation.1_lowered:
.L_overlay_start_0:
0x0: {  	s2 =	sld [smem:$0x3FD9]  }
0x1: {  	s3 =	sld [smem:$0x3FFE];
	_ =	sdelay $0x1  }
0x2: {  	s1 =	srdreg.scid  }
0x3: {  	s0 =	sand.u32 $0x1, s1  }
0x4: {  	s15 =	sshll.u32 s0, $0xA;
	s2 =	sadd.s32 s3, s2  }
0x5: {  	s2 =	sadd.s32 s2, s15  }
0x6: {  	[smem:$0x3FC5] =	sst s2  }
0x7: {  	_ = 	snop  }
0x8: {  	s2 =	sld [smem:$0x3FD0];
	_ =	sdelay $0x2  }
0x9: {  	s16 =	simm.s32 $0xB;
	s4 =	simm.s32 $0x10  }
0xa: {  	[smem:s4], [sflag:s16] =	dma.local [hbm:s2], $0x1  }
0xb: {  	_ =	swait.eq [sflag:s16], $0x1  }
0xc: {  	[sflag:s16] =	ssyncset.done $0x0  }
0xd: {  	[sflag:s16] =	ssyncadd.s32 $0xFFFFFFFF  }
0xe: {  	s17 =	sld [smem:$0x10];
	(tm) =	ssettm $0x1  }
0xf: {  	s18 =	sld [smem:$0x3FFB];
	_ =	sdelay $0x3  }
0x10: {  	_ =	strace s18  }
0x11: {  	s3 =	sld [smem:$0x3FFC];
	_ =	sdelay $0x3  }
0x12: {  	_ =	strace s3  }
0x13: {  	s3 =	sld [smem:$0x3FFD];
	_ =	sdelay $0x3  }
0x14: {  	_ =	strace s3  }
0x15: {  	_ =	strace $0x8FFFFFFF  }
0x16: {  	s19 =	sld [smem:$0x3FDB];
	_ =	sdelay $0x1  }
0x17: {  	s20 =	simm.s32 $_scs_section_size  }
0x18: {  	s5 =	simm.s32 $_size__tile_overlayer_lowered;
	s6 =	simm.s32 $_tile_overlayer_lowered  }
0x19: {  	s23 =	simm.s32 $0x1BFF;
	s22 =	sshll.u32 s6, $0x1;
	s3 =	sadd.s32 s20, s19  }
0x1a: {  	s7 =	simm.s32 $0x0;
	s21 =	sshll.u32 s5, $0x1;
	s5 =	sadd.s32 s22, s3  }
0x1b: {  	[timem:s7], [sflag:s23] =	dma.local [hbm:s5], s21  }
0x1c: {  	_ =	swait.ge [sflag:s23], s21  }
0x1d: {  	s4 =	ssub.s32 $0x0, s21;
	[sflag:s23] =	ssyncset.done $0x0  }
0x1e: {  	[sflag:s23] =	ssyncadd.s32 s4;
	_ =	sdelay $0x1  }
0x1f: {  	s24 =	simm.s32 $0x1B8B  }
0x20: {  	_ =	swait.ge [sflag:s24], $0x1  }
0x21: {  	[sflag:s24] =	ssyncset.done $0x0  }
0x22: {  	s26 =	simm.s32 $0x1B8E;
	s25 =	sld [smem:$0x3FFE];
	[sflag:s24] =	ssyncadd.s32 $0xFFFFFFFF  }
0x23: {  	s27 =	simm.s32 $execute0_lowered;
	[smem:$0x3FD2] =	sst s26  }
0x24: {  	s5 =	sshll.u32 s27, $0x1;
	_ =	strace $0x80000049;
	[dreg:$0x1] =	wrdreg $0xFFFFFFFF  }
0x25: {  	s28 =	simm.s32 $_size_execute0_lowered;
	s3 =	sadd.s32 s3, s5;
	[dreg:$0x0] =	wrdreg $0x0  }
0x26: {  	s5 =	sshll.u32 s28, $0x1;
	[dreg:$0x2] =	wrdreg s3  }
0x27: {  	[dreg:$0x3] =	wrdreg s5  }
0x28: {  	[dreg:$0x4] =	wrdreg $0xC0  }
0x29: {  	_ =	task [dreg:s7], $0x5FFFF  }
0x2a: {  	[dreg:$0x1] =	wrdreg $0xFFFFFFFF  }
0x2b: {  	[dreg:$0x0] =	wrdreg $0x60  }
0x2c: {  	[dreg:$0x2] =	wrdreg s25  }
0x2d: {  	[dreg:$0x3] =	wrdreg s17  }
0x2e: {  	[dreg:$0x4] =	wrdreg $0xA  }
0x2f: {  	_ =	task.clear_ibuf [dreg:s7], $0x5FFFF;
	_ =	strace $0x90000049  }
0x30: {  	s29 =	simm.s32 $0xA;
	_ =	strace $0x8000004B  }
0x31: {  	_ =	swait.ge [sflag:s29], $0x1  }
0x32: {  	[sflag:s29] =	ssyncadd.s32 $0xFFFFFFFF  }
0x33: {  	_ =	strace $0x9000004B  }
0x34: {  	_ =	sfence  }
0x35: {  	s30 =	sld [smem:$0x0];
	_ =	sdelay $0x2  }
0x36: {  	s31 =	sshll.u32 s1, $0xD;
	s1 =	sshrl.u32 s1, $0x2  }
0x37: {  	s3 =	sand.u32 $0x4000, s31;
	s1 =	sadd.s32 s1, s30  }
0x38: {  	s0 =	sor.u32 s3, s0;
	s1 =	sshll.u32 s1, $0x11  }
0x39: {  	s0 =	sor.u32 s1, s0  }
0x3a: {  	s0 =	sadd.s32 $0x8F2B, s0  }
0x3b: {  	[sflag:s0] =	ssyncadd.remote.s32 $0x1  }
0x3c: {  	_ =	sfence.sel $0xFFFF  }
0x3d: {  	[dreg:$0x0] =	wrdreg $0xFFFFFFFF;
	(pc) =	sbr.abs _section_cstart, $3  }
0x3e: {  	[dreg:$0x1] =	wrdreg $0xFFFFFFFF  }
0x3f: {  	_ =	task.clear_ibuf [dreg:s7], $0x2FFFF;
	_ =	strace $0x9FFFFFFF  }
0x40: {  	(tm) =	ssettm $0x7FFFFFFF  }
0x41: {  	_ =	shalt  }
tec
execute0_lowered:
.L_overlay_start_1:
0x0: {  	(tag) =	ssettag $0x1  }
0x1: {  	s0 =	srdreg.scid  }
0x2: {  	s1 =	sshll.u32 s0, $0x4  }
0x3: {  	s4 =	rddreg [dreg:$0x0];
	s0 =	stileid.u32;
	s1 =	sand.u32 $0x10, s1  }
0x4: {  	s2 =	rddreg [dreg:$0x1];
	s7 =	simm.s32 $0x1;
	s1 =	sor.u32 s0, s1  }
0x5: {  	s8 =	simm.s32 $0x2;
	s11 =	simm.s32 $0x0;
	s3 =	sshll.u32 s1, $0x7  }
0x6: {  	s10 =	simm.s32 $0x0;
	s4 =	sadd.s32 $0x1000, s4;
	s6 =	ssub.s32 $0x28000, s3  }
.Ltmp0:
0x7: {  	s1 =	rddreg [dreg:$0x2];
	s5 =	sand.u32 $0xF80, s6;
	(pc) =	sbr.rel .LBB1_1-.Ltmp0, $4  }
0x8: {  	_ =	strace $0x8000004A;
	s9 =	smov.u32 s3;
	p0 =	sne.s32 s5, $0x0  }
0x9: {  	s6 =	sshrl.u32 s6, $0xC;
	s5 =	simm.s32 $0x1;
	s7 =	simm.s32 @!p0 $0x0  }
0xa: {  	[sflag:s5] =	ssyncpa.u1 $0x0;
	p0 =	por $0x0, $0x0;
	s6 =	sadd.s32 s7, s6  }
0xb: {  	[sflag:s8] =	ssyncpa.u1 $0x0;
	s8 =	simm.s32 $0x140000;
	s7 =	sadd.s32 $0x1, s6  }
.LBB1_4:
0xc: {  	s14 =	sshll.u32 s11, $0x3  }
0xd: {  	s30 =	sand.u32 $0x7F, s11;
	s15 =	sand.u32 $0xFFFFFC00, s14  }
0xe: {  	s11 =	sor.u32 s30, s15  }
0xf: {  	s15 =	smulhi.u32 $0xCCCCCCCD, s11  }
0x10: {  	s14 =	smulhi.u32 $0xCCCCCCCD, s14  }
0x11: {  	s15 =	sshrl.u32 s15, $0x11  }
0x12: {  	s14 =	sshrl.u32 s14, $0x11;
	s15 =	smul.u32 $0x28000, s15  }
0x13: {  	s14 =	sand.u32 $0x3F, s14  }
0x14: {  	s14 =	smul.u32 $0x5000, s14;
	s11 =	ssub.s32 s11, s15  }
0x15: {  	[tilespmem:s13+$0x810 ss:$0x81] =	vst.msk $0xffff, v2;
	s15 =	sand.u32 $0x7, s11  }
0x16: {  	[tilespmem:s13+$0x1020 ss:$0x81] =	vst.msk $0xffff, v0;
	s14 =	sadd.s32 s2, s14;
	s11 =	sshrl.u32 s11, $0x3;
	s15 =	sshll.u32 s15, $0x12  }
0x17: {  	[tilespmem:s13+$0x0 ss:$0x81] =	vst.msk $0xffff, v1;
	s11 =	sadd.s32 s11, s14;
	s31 =	sor.u32 $0x400, s15  }
0x18: {  	[hbm4b:s11+s31] =	stream.strided.scatter [tilespmem:s12], [sflag:$0x2], $0x2000, s8, s31, $0x20;
	[tilespmem:$0x8080] =	vst v63  }
.LBB1_5:
0x19: {  	s13 =	sadd.s32 $0x1000, s9  }
0x1a: {  	p2 =	sgt.s32 s13, $0x27FFF  }
0x1b: {  	s13 =	smov.u32 @p2 s3;
	p2 =	sne.s32 s10, s7  }
.Ltmp1:
0x1c: {  	p1 =	slt.u32 s10, $0x2;
	(pc) =	sbr.rel @!p2 .LBB1_6-.Ltmp1, $4  }
0x1d: {  	s12 =	simm.s32 @!p1 $0x2  }
0x1e: {  	s14 =	sadd.s32 $0x1, s10;
	_ =	swait.ge @!p1 [sflag:s12], $0x2000  }
0x1f: {  	s11 =	smov.u32 s9;
	p0 =	por !p0, !p0;
	[sflag:s12] =	ssyncset.done @!p1 $0x0  }
0x20: {  	s10 =	smov.u32 s14;
	s9 =	smov.u32 s13;
	[sflag:s12] =	ssyncadd.s32 @!p1 $0xFFFFE000  }
.LBB1_1:
0x21: {  	p1 =	sge.u32 s10, s6  }
0x22: {  	s12 =	sand.u32 @!p1 $0x1FFFFFF, s9  }
0x23: {  	s13 =	smulhi.u32 @!p1 $0xCCCCCD, s12;
	_ =	sdelay $0x1  }
0x24: {  	s13 =	sshrl.u32 @!p1 s13, $0x9  }
0x25: {  	s13 =	smul.u32 @!p1 $0x28000, s13;
	_ =	sdelay $0x1  }
0x26: {  	s31 =	sadd.s32 $0xFFFFFFFF, s10;
	s14 =	sxor.u32 @!p1 $0xFFFFFFFF, s10;
	s12 =	ssub.s32 @!p1 s12, s13  }
0x27: {  	s15 =	simm.s32 @!p1 $0x80;
	s14 =	sshll.u32 @!p1 s14, $0xD;
	s12 =	sshll.u32 @!p1 s12, $0x4  }
0x28: {  	s13 =	sand.u32 @!p1 $0x2000, s14;
	s14 =	simm.s32 @!p1 $0x40;
	s12 =	sadd.s32 @!p1 s4, s12  }
0x29: {  	[tilespmem:s13], [sflag:$0x1] =	stream.strided.gather @!p1 [hbm4b:s12+s14], $0x2000, s15, s14, $0x38;
	[tilespmem:$0x8080] =	vst v63  }
0x2a: {  	p1 =	sge.u32 s31, s6  }
.Ltmp2:
0x2b: {  	_ = 	snop;
	(pc) =	sbr.rel @p1 .LBB1_5-.Ltmp2, $1  }
0x2c: {  	_ =	sdelay $0x3  }
0x2d: {  	s12 =	simm.s32 $0x1  }
0x2e: {  	_ =	swait.ge [sflag:s5], $0x2000;
	s12 =	simm.s32 @!p0 $0x0  }
0x2f: {  	[sflag:s5] =	ssyncset.done $0x0;
	s13 =	sshll.u32 s12, $0xD  }
0x30: {  	[sflag:s5] =	ssyncadd.s32 $0xFFFFE000;
	s16 =	sor.u32 $0x20, s13  }
0x31: {  	s12 =	smul.u32 $0x8100, s12;
	v3 =	vld [tilespmem:s16+$0x10]  }
0x32: {  	s30 =	sand.u32 $0x1, s10;
	v2 =	vld [tilespmem:s16+$0xFFFFFFF0]  }
0x33: {  	s13 =	smul.u32 $0x8100, s30;
	s12 =	sshrl.u32 s12, $0x2;
	v0 =	vld [tilespmem:s16+$0x0]  }
0x34: {  	v1 =	vld [tilespmem:s16+$0xFFFFFFE0];
	s14 =	sor.u32 $0x4000, s12  }
0x35: {  	s31 =	sshrl.u32 s13, $0x2;
	s13 =	sadd.s32 $0x0, s14  }
0x36: {  	s15 =	simm.s32 $0x4;
	s16 =	sadd.s32 $0x40, s16;
	s12 =	sor.u32 $0x4000, s31;
	[tilespmem:s13+$0x1830 ss:$0x81] =	vst.msk $0xffff, v3  }
.LBB1_3:
0x37: {  	v3 =	vld [tilespmem:s16+$0x10];
	p1 =	sne.s32 s15, $0x1FC;
	[tilespmem:s13+$0x810 ss:$0x81] =	vst.msk $0xffff, v2;
	s17 =	smov.u32 s15;
	s15 =	sadd.s32 $0x4, s15  }
.Ltmp3:
0x38: {  	v2 =	vld [tilespmem:s16+$0xFFFFFFF0];
	[tilespmem:s13+$0x1020 ss:$0x81] =	vst.msk $0xffff, v0;
	(pc) =	sbr.rel @p1 .LBB1_3-.Ltmp3, $4  }
0x39: {  	v0 =	vld [tilespmem:s16+$0x0];
	[tilespmem:s13+$0x0 ss:$0x81] =	vst.msk $0xffff, v1  }
0x3a: {  	s13 =	sshra.s32 s17, $0x2;
	v1 =	vld [tilespmem:s16+$0xFFFFFFE0]  }
0x3b: {  	s13 =	sadd.s32 s13, s14  }
0x3c: {  	s16 =	sadd.s32 $0x40, s16;
	[tilespmem:s13+$0x1830 ss:$0x81] =	vst.msk $0xffff, v3  }
.Ltmp4:
0x3d: {  	_ = 	snop;
	(pc) =	sbr.rel .LBB1_4-.Ltmp4, $1  }
0x3e: {  	_ =	sdelay $0x3  }
.LBB1_6:
0x3f: {  	_ =	sfence.sel $0x180000  }
0x40: {  	s2 =	simm.s32 $0x1;
	[bflag:$0x0] =	sbarrier.arrive $0xFFFF  }
0x41: {  	s31 =	simm.s32 $0x2;
	[sflag:s2] =	ssyncpa.u1 $0x1  }
0x42: {  	[sflag:s31] =	ssyncpa.u1 $0x1  }
0x43: {  	p0 =	sne.s32 s0, $0x0;
	_ =	strace $0x9000004A  }
0x44: {  	s0 =	sadd.s32 @!p0 $0x100000, s1;
	[bflag:$0x2] =	sbarrier.arrive $0xFFFF  }
0x45: {  	[sflag:s0] =	ssyncadd.tile.s32 @!p0 $0x1;
	_ =	shalt  }
.Lfunc_end1:
_tile_overlayer_lowered:
.L_overlay_start_2:
0x46: {  	(tag) =	ssettag $0x2  }
0x47: {  	s0 =	rddreg [dreg:$0x0];
	s2 =	stileid.u32  }
0x48: {  	s1 =	rddreg [dreg:$0x1];
	p0 =	sne.s32 s2, $0x0  }
0x49: {  	s3 =	rddreg [dreg:$0x2];
	[bflag:$0x3] =	sbarrier.arrive $0xFFFF;
	s2 =	simm.s32 @!p0 $0x1C01  }
0x4a: {  	[timem:s3], [sflag:s2] =	dma.local @!p0 [hbm:s0], s1  }
0x4b: {  	s0 =	simm.s32 @!p0 $0x1  }
0x4c: {  	_ =	swait.ge @!p0 [sflag:s0], s1  }
0x4d: {  	s1 =	ssub.s32 @!p0 $0x0, s1;
	[sflag:s0] =	ssyncset.done @!p0 $0x0  }
0x4e: {  	[sflag:s0] =	ssyncadd.s32 @!p0 s1  }
0x4f: {  	[bflag:$0x3] =	sbarrier.arrive $0xFFFF  }
0x50: {  	_ =	shalt  }

// kernel: sparse-core-data-format-call.cloned.1.call-start
scs
called_computation_lowered:
.L_overlay_start_0:
0x0: {  	s2 =	sld [smem:$0x3FD9]  }
0x1: {  	s3 =	sld [smem:$0x3FFE];
	_ =	sdelay $0x1  }
0x2: {  	s1 =	srdreg.scid  }
0x3: {  	s0 =	sand.u32 $0x1, s1  }
0x4: {  	s16 =	sshll.u32 s0, $0xA;
	s2 =	sadd.s32 s3, s2  }
0x5: {  	s2 =	sadd.s32 s2, s16  }
0x6: {  	[smem:$0x3FC5] =	sst s2  }
0x7: {  	_ = 	snop  }
0x8: {  	s2 =	sld [smem:$0x3FD0];
	_ =	sdelay $0x2  }
0x9: {  	s17 =	simm.s32 $0xB;
	s4 =	simm.s32 $0x10  }
0xa: {  	[smem:s4], [sflag:s17] =	dma.local [hbm:s2], $0x1  }
0xb: {  	_ =	swait.eq [sflag:s17], $0x1  }
0xc: {  	[sflag:s17] =	ssyncset.done $0x0  }
0xd: {  	[sflag:s17] =	ssyncadd.s32 $0xFFFFFFFF  }
0xe: {  	s18 =	sld [smem:$0x11];
	(tm) =	ssettm $0x1  }
0xf: {  	s19 =	sld [smem:$0x3FFB];
	_ =	sdelay $0x3  }
0x10: {  	_ =	strace s19  }
0x11: {  	s2 =	sld [smem:$0x3FFC];
	_ =	sdelay $0x3  }
0x12: {  	_ =	strace s2  }
0x13: {  	s2 =	sld [smem:$0x3FFD];
	_ =	sdelay $0x3  }
0x14: {  	_ =	strace s2  }
0x15: {  	_ =	strace $0x8FFFFFFF  }
0x16: {  	s20 =	sld [smem:$0x3FDB];
	_ =	sdelay $0x1  }
0x17: {  	s21 =	simm.s32 $_scs_section_size  }
0x18: {  	s5 =	simm.s32 $_size__tile_overlayer_lowered;
	s6 =	simm.s32 $_tile_overlayer_lowered  }
0x19: {  	s7 =	simm.s32 $0x1BFF;
	s22 =	sshll.u32 s6, $0x1;
	s4 =	sadd.s32 s21, s20  }
0x1a: {  	s23 =	simm.s32 $0x0;
	s5 =	sshll.u32 s5, $0x1;
	s6 =	sadd.s32 s22, s4  }
0x1b: {  	[timem:s23], [sflag:s7] =	dma.local [hbm:s6], s5  }
0x1c: {  	_ =	swait.ge [sflag:s7], s5  }
0x1d: {  	s5 =	ssub.s32 $0x0, s5;
	[sflag:s7] =	ssyncset.done $0x0  }
0x1e: {  	[sflag:s7] =	ssyncadd.s32 s5;
	_ =	sdelay $0x1  }
0x1f: {  	s24 =	simm.s32 $0x1B8B  }
0x20: {  	_ =	swait.ge [sflag:s24], $0x1  }
0x21: {  	[sflag:s24] =	ssyncset.done $0x0  }
0x22: {  	[sflag:s24] =	ssyncadd.s32 $0xFFFFFFFF  }
0x23: {  	s5 =	sld [smem:$0x0]  }
0x24: {  	s6 =	sand.u32 $0xFFFFFFFE, s1  }
0x25: {  	p0 =	sne.s32 s1, s6  }
0x26: {  	s6 =	sshll.u32 @p0 s6, $0xE  }
0x27: {  	s6 =	sadd.s32 @p0 $0x11B8D, s6;
	s7 =	sshll.u32 @p0 s5, $0x11  }
0x28: {  	s6 =	sor.u32 @p0 s7, s6  }
0x29: {  	[sflag:s6] =	ssyncadd.remote.s32 @p0 $0x1;
	_ =	sdelay $0x1  }
0x2a: {  	s6 =	simm.s32 @p0 $0x1B8D  }
0x2b: {  	_ =	swait.eq @p0 [sflag:s6], $0x1  }
0x2c: {  	[sflag:s6] =	ssyncadd.s32 @p0 $0xFFFFFFFF  }
0x2d: {  	s7 =	sshll.u32 @!p0 s1, $0xE  }
0x2e: {  	s7 =	sor.u32 @!p0 $0x4000, s7;
	s6 =	simm.s32 @!p0 $0x1B8D  }
0x2f: {  	s5 =	sshll.u32 @!p0 s5, $0x11;
	s7 =	sadd.s32 @!p0 $0x11B8D, s7;
	_ =	swait.eq @!p0 [sflag:s6], $0x1  }
0x30: {  	s5 =	sor.u32 @!p0 s5, s7;
	[sflag:s6] =	ssyncadd.s32 @!p0 $0xFFFFFFFF  }
0x31: {  	s26 =	simm.s32 $0x1B8E;
	s25 =	sld [smem:$0x3FFE];
	[sflag:s5] =	ssyncadd.remote.s32 @!p0 $0x1  }
0x32: {  	s27 =	simm.s32 $execute0_lowered;
	[smem:$0x3FD2] =	sst s26  }
0x33: {  	s6 =	sshll.u32 s27, $0x1;
	_ =	strace $0x8000004C;
	[dreg:$0x1] =	wrdreg $0xFFFFFFFF  }
0x34: {  	s28 =	simm.s32 $_size_execute0_lowered;
	s4 =	sadd.s32 s4, s6;
	[dreg:$0x0] =	wrdreg $0x0  }
0x35: {  	s6 =	sshll.u32 s28, $0x1;
	[dreg:$0x2] =	wrdreg s4  }
0x36: {  	[dreg:$0x3] =	wrdreg s6  }
0x37: {  	[dreg:$0x4] =	wrdreg $0xC0  }
0x38: {  	_ =	task [dreg:s23], $0x5FFFF  }
0x39: {  	[dreg:$0x1] =	wrdreg $0xFFFFFFFF  }
0x3a: {  	[dreg:$0x0] =	wrdreg $0x60  }
0x3b: {  	[dreg:$0x2] =	wrdreg s25  }
0x3c: {  	[dreg:$0x3] =	wrdreg s18  }
0x3d: {  	[dreg:$0x4] =	wrdreg $0x9  }
0x3e: {  	_ =	task.clear_ibuf [dreg:s23], $0x5FFFF;
	_ =	strace $0x9000004C  }
0x3f: {  	s29 =	simm.s32 $0x9;
	_ =	strace $0x8000004E  }
0x40: {  	_ =	swait.ge [sflag:s29], $0x1  }
0x41: {  	[sflag:s29] =	ssyncadd.s32 $0xFFFFFFFF  }
0x42: {  	_ =	strace $0x9000004E  }
0x43: {  	_ =	sfence  }
0x44: {  	s30 =	sld [smem:$0x0];
	_ =	sdelay $0x2  }
0x45: {  	s31 =	sshll.u32 s1, $0xD;
	s1 =	sshrl.u32 s1, $0x2  }
0x46: {  	s4 =	sand.u32 $0x4000, s31;
	s1 =	sadd.s32 s1, s30  }
0x47: {  	s0 =	sor.u32 s4, s0;
	s1 =	sshll.u32 s1, $0x11  }
0x48: {  	s0 =	sor.u32 s1, s0  }
0x49: {  	s0 =	sadd.s32 $0x8F2B, s0  }
0x4a: {  	[sflag:s0] =	ssyncadd.remote.s32 $0x1  }
0x4b: {  	_ =	sfence.sel $0xFFFF  }
0x4c: {  	[dreg:$0x0] =	wrdreg $0xFFFFFFFF;
	(pc) =	sbr.abs _section_cstart, $3  }
0x4d: {  	[dreg:$0x1] =	wrdreg $0xFFFFFFFF  }
0x4e: {  	_ =	task.clear_ibuf [dreg:s23], $0x2FFFF;
	_ =	strace $0x9FFFFFFF  }
0x4f: {  	(tm) =	ssettm $0x7FFFFFFF  }
tec
execute0_lowered:
.L_overlay_start_1:
0x0: {  	(tag) =	ssettag $0x1  }
0x1: {  	s0 =	srdreg.scid  }
0x2: {  	s1 =	sshll.u32 s0, $0x4  }
0x3: {  	s4 =	rddreg [dreg:$0x0];
	s0 =	stileid.u32;
	s1 =	sand.u32 $0x10, s1  }
0x4: {  	s2 =	rddreg [dreg:$0x1];
	s7 =	simm.s32 $0x1;
	s1 =	sor.u32 s0, s1  }
0x5: {  	s8 =	simm.s32 $0x2;
	s11 =	simm.s32 $0x0;
	s3 =	sshll.u32 s1, $0x7  }
0x6: {  	s10 =	simm.s32 $0x0;
	s4 =	sadd.s32 $0x281000, s4;
	s6 =	ssub.s32 $0x28000, s3  }
.Ltmp0:
0x7: {  	s1 =	rddreg [dreg:$0x2];
	s5 =	sand.u32 $0xF80, s6;
	(pc) =	sbr.rel .LBB1_1-.Ltmp0, $4  }
0x8: {  	_ =	strace $0x8000004D;
	s9 =	smov.u32 s3;
	p0 =	sne.s32 s5, $0x0  }
0x9: {  	s6 =	sshrl.u32 s6, $0xC;
	s5 =	simm.s32 $0x1;
	s7 =	simm.s32 @!p0 $0x0  }
0xa: {  	[sflag:s5] =	ssyncpa.u1 $0x0;
	p0 =	por $0x0, $0x0;
	s6 =	sadd.s32 s7, s6  }
0xb: {  	[sflag:s8] =	ssyncpa.u1 $0x0;
	s8 =	simm.s32 $0x140000;
	s7 =	sadd.s32 $0x1, s6  }
.LBB1_4:
0xc: {  	s14 =	sshll.u32 s11, $0x3  }
0xd: {  	s30 =	sand.u32 $0x7F, s11;
	s15 =	sand.u32 $0xFFFFFC00, s14  }
0xe: {  	s11 =	sor.u32 s30, s15  }
0xf: {  	s15 =	smulhi.u32 $0xCCCCCCCD, s11  }
0x10: {  	s14 =	smulhi.u32 $0xCCCCCCCD, s14  }
0x11: {  	s15 =	sshrl.u32 s15, $0x11  }
0x12: {  	s14 =	sshrl.u32 s14, $0x11;
	s15 =	smul.u32 $0x28000, s15  }
0x13: {  	s14 =	sand.u32 $0x3F, s14  }
0x14: {  	s14 =	smul.u32 $0x5000, s14;
	s11 =	ssub.s32 s11, s15  }
0x15: {  	[tilespmem:s13+$0x810 ss:$0x81] =	vst.msk $0xffff, v2;
	s15 =	sand.u32 $0x7, s11  }
0x16: {  	[tilespmem:s13+$0x1020 ss:$0x81] =	vst.msk $0xffff, v0;
	s14 =	sadd.s32 s2, s14;
	s11 =	sshrl.u32 s11, $0x3;
	s15 =	sshll.u32 s15, $0x12  }
0x17: {  	[tilespmem:s13+$0x0 ss:$0x81] =	vst.msk $0xffff, v1;
	s11 =	sadd.s32 s11, s14;
	s31 =	sor.u32 $0x400, s15  }
0x18: {  	[hbm4b:s11+s31] =	stream.strided.scatter [tilespmem:s12], [sflag:$0x2], $0x2000, s8, s31, $0x20;
	[tilespmem:$0x8080] =	vst v63  }
.LBB1_5:
0x19: {  	s13 =	sadd.s32 $0x1000, s9  }
0x1a: {  	p2 =	sgt.s32 s13, $0x27FFF  }
0x1b: {  	s13 =	smov.u32 @p2 s3;
	p2 =	sne.s32 s10, s7  }
.Ltmp1:
0x1c: {  	p1 =	slt.u32 s10, $0x2;
	(pc) =	sbr.rel @!p2 .LBB1_6-.Ltmp1, $4  }
0x1d: {  	s12 =	simm.s32 @!p1 $0x2  }
0x1e: {  	s14 =	sadd.s32 $0x1, s10;
	_ =	swait.ge @!p1 [sflag:s12], $0x2000  }
0x1f: {  	s11 =	smov.u32 s9;
	p0 =	por !p0, !p0;
	[sflag:s12] =	ssyncset.done @!p1 $0x0  }
0x20: {  	s10 =	smov.u32 s14;
	s9 =	smov.u32 s13;
	[sflag:s12] =	ssyncadd.s32 @!p1 $0xFFFFE000  }
.LBB1_1:
0x21: {  	p1 =	sge.u32 s10, s6  }
0x22: {  	s12 =	sand.u32 @!p1 $0x1FFFFFF, s9  }
0x23: {  	s13 =	smulhi.u32 @!p1 $0xCCCCCD, s12;
	_ =	sdelay $0x1  }
0x24: {  	s13 =	sshrl.u32 @!p1 s13, $0x9  }
0x25: {  	s13 =	smul.u32 @!p1 $0x28000, s13;
	_ =	sdelay $0x1  }
0x26: {  	s31 =	sadd.s32 $0xFFFFFFFF, s10;
	s14 =	sxor.u32 @!p1 $0xFFFFFFFF, s10;
	s12 =	ssub.s32 @!p1 s12, s13  }
0x27: {  	s15 =	simm.s32 @!p1 $0x80;
	s14 =	sshll.u32 @!p1 s14, $0xD;
	s12 =	sshll.u32 @!p1 s12, $0x4  }
0x28: {  	s13 =	sand.u32 @!p1 $0x2000, s14;
	s14 =	simm.s32 @!p1 $0x40;
	s12 =	sadd.s32 @!p1 s4, s12  }
0x29: {  	[tilespmem:s13], [sflag:$0x1] =	stream.strided.gather @!p1 [hbm4b:s12+s14], $0x2000, s15, s14, $0x38;
	[tilespmem:$0x8080] =	vst v63  }
0x2a: {  	p1 =	sge.u32 s31, s6  }
.Ltmp2:
0x2b: {  	_ = 	snop;
	(pc) =	sbr.rel @p1 .LBB1_5-.Ltmp2, $1  }
0x2c: {  	_ =	sdelay $0x3  }
0x2d: {  	s12 =	simm.s32 $0x1  }
0x2e: {  	_ =	swait.ge [sflag:s5], $0x2000;
	s12 =	simm.s32 @!p0 $0x0  }
0x2f: {  	[sflag:s5] =	ssyncset.done $0x0;
	s13 =	sshll.u32 s12, $0xD  }
0x30: {  	[sflag:s5] =	ssyncadd.s32 $0xFFFFE000;
	s16 =	sor.u32 $0x20, s13  }
0x31: {  	s12 =	smul.u32 $0x8100, s12;
	v3 =	vld [tilespmem:s16+$0x10]  }
0x32: {  	s30 =	sand.u32 $0x1, s10;
	v2 =	vld [tilespmem:s16+$0xFFFFFFF0]  }
0x33: {  	s13 =	smul.u32 $0x8100, s30;
	s12 =	sshrl.u32 s12, $0x2;
	v0 =	vld [tilespmem:s16+$0x0]  }
0x34: {  	v1 =	vld [tilespmem:s16+$0xFFFFFFE0];
	s14 =	sor.u32 $0x4000, s12  }
0x35: {  	s31 =	sshrl.u32 s13, $0x2;
	s13 =	sadd.s32 $0x0, s14  }
0x36: {  	s15 =	simm.s32 $0x4;
	s16 =	sadd.s32 $0x40, s16;
	s12 =	sor.u32 $0x4000, s31;
	[tilespmem:s13+$0x1830 ss:$0x81] =	vst.msk $0xffff, v3  }
.LBB1_3:
0x37: {  	v3 =	vld [tilespmem:s16+$0x10];
	p1 =	sne.s32 s15, $0x1FC;
	[tilespmem:s13+$0x810 ss:$0x81] =	vst.msk $0xffff, v2;
	s17 =	smov.u32 s15;
	s15 =	sadd.s32 $0x4, s15  }
.Ltmp3:
0x38: {  	v2 =	vld [tilespmem:s16+$0xFFFFFFF0];
	[tilespmem:s13+$0x1020 ss:$0x81] =	vst.msk $0xffff, v0;
	(pc) =	sbr.rel @p1 .LBB1_3-.Ltmp3, $4  }
0x39: {  	v0 =	vld [tilespmem:s16+$0x0];
	[tilespmem:s13+$0x0 ss:$0x81] =	vst.msk $0xffff, v1  }
0x3a: {  	s13 =	sshra.s32 s17, $0x2;
	v1 =	vld [tilespmem:s16+$0xFFFFFFE0]  }
0x3b: {  	s13 =	sadd.s32 s13, s14  }
0x3c: {  	s16 =	sadd.s32 $0x40, s16;
	[tilespmem:s13+$0x1830 ss:$0x81] =	vst.msk $0xffff, v3  }
.Ltmp4:
0x3d: {  	_ = 	snop;
	(pc) =	sbr.rel .LBB1_4-.Ltmp4, $1  }
0x3e: {  	_ =	sdelay $0x3  }
.LBB1_6:
0x3f: {  	_ =	sfence.sel $0x180000  }
0x40: {  	s2 =	simm.s32 $0x1;
	[bflag:$0x0] =	sbarrier.arrive $0xFFFF  }
0x41: {  	s31 =	simm.s32 $0x2;
	[sflag:s2] =	ssyncpa.u1 $0x1  }
0x42: {  	[sflag:s31] =	ssyncpa.u1 $0x1  }
0x43: {  	p0 =	sne.s32 s0, $0x0;
	_ =	strace $0x9000004D  }
0x44: {  	s0 =	sadd.s32 @!p0 $0x100000, s1;
	[bflag:$0x2] =	sbarrier.arrive $0xFFFF  }
0x45: {  	[sflag:s0] =	ssyncadd.tile.s32 @!p0 $0x1;
	_ =	shalt  }
.Lfunc_end1:
_tile_overlayer_lowered:
.L_overlay_start_2:
0x46: {  	(tag) =	ssettag $0x2  }
0x47: {  	s0 =	rddreg [dreg:$0x0];
	s2 =	stileid.u32  }
0x48: {  	s1 =	rddreg [dreg:$0x1];
	p0 =	sne.s32 s2, $0x0  }
0x49: {  	s3 =	rddreg [dreg:$0x2];
	[bflag:$0x3] =	sbarrier.arrive $0xFFFF;
	s2 =	simm.s32 @!p0 $0x1C01  }
0x4a: {  	[timem:s3], [sflag:s2] =	dma.local @!p0 [hbm:s0], s1  }
0x4b: {  	s0 =	simm.s32 @!p0 $0x1  }
0x4c: {  	_ =	swait.ge @!p0 [sflag:s0], s1  }
0x4d: {  	s1 =	ssub.s32 @!p0 $0x0, s1;
	[sflag:s0] =	ssyncset.done @!p0 $0x0  }
0x4e: {  	[sflag:s0] =	ssyncadd.s32 @!p0 s1  }
0x4f: {  	[bflag:$0x3] =	sbarrier.arrive $0xFFFF  }
0x50: {  	_ =	shalt  }

</sc_bundles>
